<compile_context>
chip_gen: v7x
topology: tpu7x:2x2x1
jax: 0.10.2.dev20260603
libtpu: 0.0.44.dev20260713+nightly
codegen_flags: <defaults>
</compile_context>

<pallas_src>
import functools

import jax
import jax.numpy as jnp
from jax import lax
from jax.experimental import pallas as pl
from jax.experimental.pallas import tpu as pltpu
from jax.experimental.pallas import tpu_sc as plsc

_N0 = 5000
_N = 10000
_NP = 10240
_E = 320000
_D = 128

_B = 128
_NTILES = 32
_NCHUNK = 79
_EPT = _NCHUNK * _B
_EP = _NTILES * _EPT
_EPR = _EP // 128
_RPT = _NP // 16
_RB = 128


def _mesh():
    return plsc.VectorSubcoreMesh(core_axis_name="c", subcore_axis_name="s")


def _sc_deg_body(srcd, dsts, ones_h, zeros_h, out_od, out_id,
                 si_v, di_v, ones_v, od_s, id_s, sem):
    c = lax.axis_index("c")
    s = lax.axis_index("s")
    tid = c * 16 + s
    pltpu.sync_copy(srcd.at[tid], si_v)
    pltpu.sync_copy(dsts.at[tid], di_v)
    pltpu.sync_copy(ones_h, ones_v)
    pltpu.sync_copy(zeros_h, od_s.at[pl.ds(s * _RPT, _RPT)])
    pltpu.sync_copy(zeros_h, id_s.at[pl.ds(s * _RPT, _RPT)])
    plsc.subcore_barrier()

    def step(j, carry):
        pltpu.sync_copy(ones_v, od_s.at[si_v.at[j]], add=True)
        pltpu.sync_copy(ones_v, id_s.at[di_v.at[j]], add=True)
        return carry

    lax.fori_loop(0, _NCHUNK, step, 0)
    plsc.subcore_barrier()
    sl = pl.ds(s * _RPT, _RPT)
    pltpu.sync_copy(od_s.at[sl], out_od.at[c].at[sl])
    pltpu.sync_copy(id_s.at[sl], out_id.at[c].at[sl])


_sc_deg = functools.partial(
    pl.kernel,
    out_type=(
        jax.ShapeDtypeStruct((2, _NP, 16), jnp.float32),
        jax.ShapeDtypeStruct((2, _NP, 16), jnp.float32),
    ),
    mesh=_mesh(),
    scratch_types=[
        pltpu.VMEM((_NCHUNK, _B), jnp.int32),
        pltpu.VMEM((_NCHUNK, _B), jnp.int32),
        pltpu.VMEM((_B, 16), jnp.float32),
        pltpu.VMEM_SHARED((_NP, 16), jnp.float32),
        pltpu.VMEM_SHARED((_NP, 16), jnp.float32),
        pltpu.SemaphoreType.DMA,
    ],
)(_sc_deg_body)


def _sc_agg_body(hs, srcg, dsts, zeros_h, out,
                 si_v, di_v, rows_v, agg_s, sem):
    c = lax.axis_index("c")
    s = lax.axis_index("s")
    tid = c * 16 + s
    pltpu.sync_copy(srcg.at[tid], si_v)
    pltpu.sync_copy(dsts.at[tid], di_v)
    pltpu.sync_copy(zeros_h, agg_s.at[pl.ds(s * _RPT, _RPT)])
    plsc.subcore_barrier()

    def step(j, carry):
        pltpu.async_copy(hs.at[si_v.at[j]], rows_v, sem).wait()
        pltpu.sync_copy(rows_v, agg_s.at[di_v.at[j]], add=True)
        return carry

    lax.fori_loop(0, _NCHUNK, step, 0)
    plsc.subcore_barrier()
    sl = pl.ds(s * _RPT, _RPT)
    pltpu.sync_copy(agg_s.at[sl], out.at[c].at[sl])


_sc_agg = functools.partial(
    pl.kernel,
    out_type=jax.ShapeDtypeStruct((2, _NP, _D), jnp.float32),
    mesh=_mesh(),
    scratch_types=[
        pltpu.VMEM((_NCHUNK, _B), jnp.int32),
        pltpu.VMEM((_NCHUNK, _B), jnp.int32),
        pltpu.VMEM((_B, _D), jnp.float32),
        pltpu.VMEM_SHARED((_NP, _D), jnp.float32),
        pltpu.SemaphoreType.DMA,
    ],
)(_sc_agg_body)


def _prep_body(src_ref, dst_ref, srcd_ref, dsts_ref):
    srcv = src_ref[...]
    dstv = dst_ref[...]
    keep = srcv != dstv
    srcd_ref[...] = jnp.where(keep, srcv, _N)
    dsts_ref[...] = jnp.where(keep, dstv, _N)


_prep = pl.pallas_call(
    _prep_body,
    out_shape=(
        jax.ShapeDtypeStruct((_EPR, 128), jnp.int32),
        jax.ShapeDtypeStruct((_EPR, 128), jnp.int32),
    ),
)


def _norm_cols(degp_ref):
    od = degp_ref[0, 0][:, 0:1] + degp_ref[1, 0][:, 0:1] + 1.0
    idg = degp_ref[0, 1][:, 0:1] + degp_ref[1, 1][:, 0:1] + 1.0
    return lax.rsqrt(od), lax.rsqrt(idg)


def _proj_body(feat_ref, w0_ref, b0_ref, w1_ref, b1_ref, degp_ref, hs1_ref):
    i = pl.program_id(0)
    feat = feat_ref[...]
    h0 = jnp.dot(feat, w0_ref[...], preferred_element_type=jnp.float32) + b0_ref[...]
    h1 = jnp.dot(feat, w1_ref[...], preferred_element_type=jnp.float32) + b1_ref[...]
    rows = i * _RB + lax.broadcasted_iota(jnp.int32, (_RB, 1), 0)
    h = jnp.where(rows < _N0, h0, h1)
    ns, _ = _norm_cols(degp_ref)
    hs1_ref[...] = h * ns


_proj = pl.pallas_call(
    _proj_body,
    grid=(_NP // _RB,),
    in_specs=[
        pl.BlockSpec((_RB, _D), lambda i: (i, 0)),
        pl.BlockSpec((_D, _D), lambda i: (0, 0)),
        pl.BlockSpec((1, _D), lambda i: (0, 0)),
        pl.BlockSpec((_D, _D), lambda i: (0, 0)),
        pl.BlockSpec((1, _D), lambda i: (0, 0)),
        pl.BlockSpec((2, 2, _RB, 16), lambda i: (0, 0, i, 0)),
    ],
    out_specs=pl.BlockSpec((_RB, _D), lambda i: (i, 0)),
    out_shape=jax.ShapeDtypeStruct((_NP, _D), jnp.float32),
)


def _mid_body(p_ref, hs1_ref, degp_ref, bg1_ref, hs2_ref):
    agg = p_ref[0] + p_ref[1] + hs1_ref[...]
    ns, nd = _norm_cols(degp_ref)
    h1 = jnp.maximum(agg * nd + bg1_ref[...], 0.0)
    hs2_ref[...] = h1 * ns


_mid = pl.pallas_call(
    _mid_body,
    grid=(_NP // _RB,),
    in_specs=[
        pl.BlockSpec((2, _RB, _D), lambda i: (0, i, 0)),
        pl.BlockSpec((_RB, _D), lambda i: (i, 0)),
        pl.BlockSpec((2, 2, _RB, 16), lambda i: (0, 0, i, 0)),
        pl.BlockSpec((1, _D), lambda i: (0, 0)),
    ],
    out_specs=pl.BlockSpec((_RB, _D), lambda i: (i, 0)),
    out_shape=jax.ShapeDtypeStruct((_NP, _D), jnp.float32),
)


def _fin_body(p_ref, hs2_ref, degp_ref, wg_ref, bg2_ref, out_ref):
    agg = p_ref[0] + p_ref[1] + hs2_ref[...]
    _, nd = _norm_cols(degp_ref)
    rst = agg * nd
    out_ref[...] = jnp.maximum(
        jnp.dot(rst, wg_ref[...], preferred_element_type=jnp.float32)
        + bg2_ref[...], 0.0)


_fin = pl.pallas_call(
    _fin_body,
    grid=(_NP // _RB,),
    in_specs=[
        pl.BlockSpec((2, _RB, _D), lambda i: (0, i, 0)),
        pl.BlockSpec((_RB, _D), lambda i: (i, 0)),
        pl.BlockSpec((2, 2, _RB, 16), lambda i: (0, 0, i, 0)),
        pl.BlockSpec((_D, _D), lambda i: (0, 0)),
        pl.BlockSpec((1, _D), lambda i: (0, 0)),
    ],
    out_specs=pl.BlockSpec((_RB, _D), lambda i: (i, 0)),
    out_shape=jax.ShapeDtypeStruct((_NP, _D), jnp.float32),
)


def kernel(feat_type0, feat_type1, edge_index, W0, b0, W1, b1, b_g1, W_g2, b_g2):
    src = edge_index[0]
    dst = edge_index[1]
    pad = _EP - _E
    srcp = jnp.pad(src, (0, pad), constant_values=_N).reshape(_EPR, 128)
    dstp = jnp.pad(dst, (0, pad), constant_values=_N).reshape(_EPR, 128)
    srcd, dsts = _prep(srcp, dstp)
    srcg3 = srcp.reshape(_NTILES, _NCHUNK, _B)
    srcd3 = srcd.reshape(_NTILES, _NCHUNK, _B)
    dsts3 = dsts.reshape(_NTILES, _NCHUNK, _B)

    ones16 = jnp.ones((_B, 16), jnp.float32)
    zeros16 = jnp.zeros((_RPT, 16), jnp.float32)
    zeros128 = jnp.zeros((_RPT, _D), jnp.float32)

    od_parts, id_parts = _sc_deg(srcd3, dsts3, ones16, zeros16)
    degp = jnp.stack([od_parts, id_parts], axis=1)

    feat = jnp.concatenate([feat_type0, feat_type1], axis=0)
    feat = jnp.pad(feat, ((0, _NP - _N), (0, 0)))

    hs1 = _proj(feat, W0, b0.reshape(1, _D), W1, b1.reshape(1, _D), degp)
    parts1 = _sc_agg(hs1, srcg3, dsts3, zeros128)
    hs2 = _mid(parts1, hs1, degp, b_g1.reshape(1, _D))
    parts2 = _sc_agg(hs2, srcg3, dsts3, zeros128)
    out = _fin(parts2, hs2, degp, W_g2, b_g2.reshape(1, _D))
    return out[:_N0], out[_N0:_N]

# --- scband reference (transcript-rebuilt; emitter-appended) ---
"""Pipeline reference for scband-gcl-gcn-23055384445693 (READ-ONLY COPY).

The authoritative reference and input builder live on the scoring server;
editing this copy changes nothing except your own understanding.
"""

import jax, jax.numpy as jnp
import numpy as np

N0 = 5000
N1 = 5000
N = N0 + N1
E = 320000
D = 128
H = 128


def setup_inputs(seed: int = 0) -> dict:
    key = jax.random.key(seed)
    ks = jax.random.split(key, 12)
    feat_type0 = jax.random.normal(ks[0], (N0, D), dtype=jnp.float32)
    feat_type1 = jax.random.normal(ks[1], (N1, D), dtype=jnp.float32)
    edge_index = jax.random.randint(ks[2], (2, E), 0, N, dtype=jnp.int32)
    # per-type input projections (nn.Linear, xavier_normal-like scale)
    s_in = float(np.sqrt(2.0 / (D + H))) * 1.414
    W0 = jax.random.normal(ks[3], (D, H), dtype=jnp.float32) * s_in
    b0 = jnp.zeros((H,), dtype=jnp.float32)
    W1 = jax.random.normal(ks[4], (D, H), dtype=jnp.float32) * s_in
    b1 = jnp.zeros((H,), dtype=jnp.float32)
    # GraphConv layer 1: weight=False, bias=True
    b_g1 = jnp.zeros((H,), dtype=jnp.float32)
    # GraphConv layer 2: weight + bias
    s_g = float(np.sqrt(2.0 / (H + H)))
    W_g2 = jax.random.normal(ks[5], (H, H), dtype=jnp.float32) * s_g
    b_g2 = jnp.zeros((H,), dtype=jnp.float32)
    return {
        "feat_type0": feat_type0,
        "feat_type1": feat_type1,
        "edge_index": edge_index,
        "W0": W0, "b0": b0,
        "W1": W1, "b1": b1,
        "b_g1": b_g1,
        "W_g2": W_g2, "b_g2": b_g2,
    }


def _graph_conv(h, src, dst, ew, n_nodes, W, b):
    # DGL GraphConv with norm='both': h_src * out_deg^-1/2 -> sum over edges -> * in_deg^-1/2
    out_deg = jnp.zeros((n_nodes,), dtype=h.dtype).at[src].add(ew)
    in_deg = jnp.zeros((n_nodes,), dtype=h.dtype).at[dst].add(ew)
    norm_src = jnp.where(out_deg > 0, out_deg ** -0.5, 0.0)
    norm_dst = jnp.where(in_deg > 0, in_deg ** -0.5, 0.0)
    hs = h * norm_src[:, None]
    msg = jnp.take(hs, src, axis=0) * ew[:, None]  # gather over src nodes
    agg = jnp.zeros_like(h).at[dst].add(msg)       # scatter-add into dst nodes
    rst = agg * norm_dst[:, None]
    if W is not None:
        rst = rst @ W
    rst = rst + b
    return jax.nn.relu(rst)


def reference(feat_type0, feat_type1, edge_index, W0, b0, W1, b1, b_g1, W_g2, b_g2):
    src = edge_index[0]
    dst = edge_index[1]
    # dgl.remove_self_loop then dgl.add_self_loop
    keep = src != dst
    loop = jnp.arange(N, dtype=src.dtype)
    src = jnp.concatenate([src, loop], axis=0)
    dst = jnp.concatenate([dst, loop], axis=0)
    ew = jnp.concatenate(
        [keep.astype(jnp.float32), jnp.ones((N,), dtype=jnp.float32)], axis=0
    )
    # per-type fc projections, then concat (dropout p=0.0 is identity)
    h0 = feat_type0 @ W0 + b0
    h1 = feat_type1 @ W1 + b1
    h = jnp.concatenate([h0, h1], axis=0)
    # layer 1: GraphConv(weight=False)
    h = _graph_conv(h, src, dst, ew, N, None, b_g1)
    # layer 2: GraphConv with weight
    h = _graph_conv(h, src, dst, ew, N, W_g2, b_g2)
    # split back per node type (the dict res in the original module)
    return h[:N0], h[N0:]


if False:  # reference __main__ guard neutralized (emitter)
    out = reference(**setup_inputs())
    print(out[0].shape, out[1].shape)

if __name__ == "__main__":
    import jax
    _d = setup_inputs()
    print(jax.jit(kernel)(*tuple(_d.values())))

</pallas_src>

<mosaic_0001>
#map = affine_map<(d0, d1) -> (0, 0, 0)>
#map1 = affine_map<(d0, d1) -> (0, 0)>
module attributes {stable_mosaic.version = 14 : i64} {
  func.func @_sc_deg_body(%arg0: i32, %arg1: i32, %arg2: memref<32x79x128xi32, #tpu.memory_space<hbm>>, %arg3: memref<32x79x128xi32, #tpu.memory_space<hbm>>, %arg4: memref<128x16xf32, #tpu.memory_space<hbm>>, %arg5: memref<640x16xf32, #tpu.memory_space<hbm>>, %arg6: memref<2x10240x16xf32, #tpu.memory_space<hbm>>, %arg7: memref<2x10240x16xf32, #tpu.memory_space<hbm>>, %arg8: memref<79x128xi32, #tpu.memory_space<vmem>>, %arg9: memref<79x128xi32, #tpu.memory_space<vmem>>, %arg10: memref<128x16xf32, #tpu.memory_space<vmem>>, %arg11: memref<10240x16xf32, #tpu.memory_space<vmem_shared>>, %arg12: memref<10240x16xf32, #tpu.memory_space<vmem_shared>>, %arg13: memref<!tpu.dma_semaphore, #tpu.memory_space<semaphore_mem>>) attributes {dimension_semantics = [#tpu.dimension_semantics<core_parallel>, #tpu.dimension_semantics<subcore_parallel>], iteration_bounds = array<i64: 2, 16>, scalar_prefetch = 0 : i64, scratch_operands = 6 : i64, tpu.core_type = #tpu.core_type<sc_vector_subcore>, window_params = [{transform_indices = #map}, {transform_indices = #map}, {transform_indices = #map1}, {transform_indices = #map1}, {transform_indices = #map}, {transform_indices = #map}]} {
    %mul3A = arith.constant 16 : i32
    %mul3A_0 = arith.muli %arg0, %mul3A : i32
    %add3A = arith.addi %mul3A_0, %arg1 : i32
    "tpu.region"() ({
      %run_scoped3A = tpu.sem_alloc : memref<!tpu.dma_semaphore, #tpu.memory_space<semaphore_mem>>
      %dma_start3A = arith.constant 0 : i32
      %dma_start3A_13 = arith.constant 0 : i32
      %dma_start3A_14 = tpu.memref_slice %arg2[%add3A, %dma_start3A, %dma_start3A_13] : memref<32x79x128xi32, #tpu.memory_space<hbm>> -> memref<1x79x128xi32, #tpu.memory_space<hbm>>
      %dma_start3A_15 = tpu.memref_squeeze %dma_start3A_14 : memref<1x79x128xi32, #tpu.memory_space<hbm>> -> memref<79x128xi32, #tpu.memory_space<hbm>>
      %dma_start3A_16 = arith.constant 0 : i32
      %dma_start3A_17 = arith.constant 0 : i32
      %dma_start3A_18 = tpu.memref_slice %arg2[%add3A, %dma_start3A_16, %dma_start3A_17] : memref<32x79x128xi32, #tpu.memory_space<hbm>> -> memref<1x79x128xi32, #tpu.memory_space<hbm>>
      %dma_start3A_19 = tpu.memref_squeeze %dma_start3A_18 : memref<1x79x128xi32, #tpu.memory_space<hbm>> -> memref<79x128xi32, #tpu.memory_space<hbm>>
      tpu.enqueue_dma source(%dma_start3A_19 : memref<79x128xi32, #tpu.memory_space<hbm>>) target(%arg8 : memref<79x128xi32, #tpu.memory_space<vmem>>) target_semaphore(%run_scoped3A : memref<!tpu.dma_semaphore, #tpu.memory_space<semaphore_mem>>)
      %dma_wait3A = arith.constant 0 : i32
      %dma_wait3A_20 = arith.constant 0 : i32
      %dma_wait3A_21 = tpu.memref_slice %arg2[%add3A, %dma_wait3A, %dma_wait3A_20] : memref<32x79x128xi32, #tpu.memory_space<hbm>> -> memref<1x79x128xi32, #tpu.memory_space<hbm>>
      %dma_wait3A_22 = tpu.memref_squeeze %dma_wait3A_21 : memref<1x79x128xi32, #tpu.memory_space<hbm>> -> memref<79x128xi32, #tpu.memory_space<hbm>>
      %dma_wait3A_23 = arith.constant 0 : i32
      %dma_wait3A_24 = arith.constant 0 : i32
      %dma_wait3A_25 = tpu.memref_slice %arg2[%add3A, %dma_wait3A_23, %dma_wait3A_24] : memref<32x79x128xi32, #tpu.memory_space<hbm>> -> memref<1x79x128xi32, #tpu.memory_space<hbm>>
      %dma_wait3A_26 = tpu.memref_squeeze %dma_wait3A_25 : memref<1x79x128xi32, #tpu.memory_space<hbm>> -> memref<79x128xi32, #tpu.memory_space<hbm>>
      tpu.wait_dma2 semaphore(%run_scoped3A : memref<!tpu.dma_semaphore, #tpu.memory_space<semaphore_mem>>) src(%dma_wait3A_26 : memref<79x128xi32, #tpu.memory_space<hbm>>) dst(%arg8 : memref<79x128xi32, #tpu.memory_space<vmem>>)
      tpu.yield
    }) : () -> ()
    "tpu.region"() ({
      %run_scoped3A = tpu.sem_alloc : memref<!tpu.dma_semaphore, #tpu.memory_space<semaphore_mem>>
      %dma_start3A = arith.constant 0 : i32
      %dma_start3A_13 = arith.constant 0 : i32
      %dma_start3A_14 = tpu.memref_slice %arg3[%add3A, %dma_start3A, %dma_start3A_13] : memref<32x79x128xi32, #tpu.memory_space<hbm>> -> memref<1x79x128xi32, #tpu.memory_space<hbm>>
      %dma_start3A_15 = tpu.memref_squeeze %dma_start3A_14 : memref<1x79x128xi32, #tpu.memory_space<hbm>> -> memref<79x128xi32, #tpu.memory_space<hbm>>
      %dma_start3A_16 = arith.constant 0 : i32
      %dma_start3A_17 = arith.constant 0 : i32
      %dma_start3A_18 = tpu.memref_slice %arg3[%add3A, %dma_start3A_16, %dma_start3A_17] : memref<32x79x128xi32, #tpu.memory_space<hbm>> -> memref<1x79x128xi32, #tpu.memory_space<hbm>>
      %dma_start3A_19 = tpu.memref_squeeze %dma_start3A_18 : memref<1x79x128xi32, #tpu.memory_space<hbm>> -> memref<79x128xi32, #tpu.memory_space<hbm>>
      tpu.enqueue_dma source(%dma_start3A_19 : memref<79x128xi32, #tpu.memory_space<hbm>>) target(%arg9 : memref<79x128xi32, #tpu.memory_space<vmem>>) target_semaphore(%run_scoped3A : memref<!tpu.dma_semaphore, #tpu.memory_space<semaphore_mem>>)
      %dma_wait3A = arith.constant 0 : i32
      %dma_wait3A_20 = arith.constant 0 : i32
      %dma_wait3A_21 = tpu.memref_slice %arg3[%add3A, %dma_wait3A, %dma_wait3A_20] : memref<32x79x128xi32, #tpu.memory_space<hbm>> -> memref<1x79x128xi32, #tpu.memory_space<hbm>>
      %dma_wait3A_22 = tpu.memref_squeeze %dma_wait3A_21 : memref<1x79x128xi32, #tpu.memory_space<hbm>> -> memref<79x128xi32, #tpu.memory_space<hbm>>
      %dma_wait3A_23 = arith.constant 0 : i32
      %dma_wait3A_24 = arith.constant 0 : i32
      %dma_wait3A_25 = tpu.memref_slice %arg3[%add3A, %dma_wait3A_23, %dma_wait3A_24] : memref<32x79x128xi32, #tpu.memory_space<hbm>> -> memref<1x79x128xi32, #tpu.memory_space<hbm>>
      %dma_wait3A_26 = tpu.memref_squeeze %dma_wait3A_25 : memref<1x79x128xi32, #tpu.memory_space<hbm>> -> memref<79x128xi32, #tpu.memory_space<hbm>>
      tpu.wait_dma2 semaphore(%run_scoped3A : memref<!tpu.dma_semaphore, #tpu.memory_space<semaphore_mem>>) src(%dma_wait3A_26 : memref<79x128xi32, #tpu.memory_space<hbm>>) dst(%arg9 : memref<79x128xi32, #tpu.memory_space<vmem>>)
      tpu.yield
    }) : () -> ()
    "tpu.region"() ({
      %run_scoped3A = tpu.sem_alloc : memref<!tpu.dma_semaphore, #tpu.memory_space<semaphore_mem>>
      tpu.enqueue_dma source(%arg4 : memref<128x16xf32, #tpu.memory_space<hbm>>) target(%arg10 : memref<128x16xf32, #tpu.memory_space<vmem>>) target_semaphore(%run_scoped3A : memref<!tpu.dma_semaphore, #tpu.memory_space<semaphore_mem>>)
      tpu.wait_dma2 semaphore(%run_scoped3A : memref<!tpu.dma_semaphore, #tpu.memory_space<semaphore_mem>>) src(%arg4 : memref<128x16xf32, #tpu.memory_space<hbm>>) dst(%arg10 : memref<128x16xf32, #tpu.memory_space<vmem>>)
      tpu.yield
    }) : () -> ()
    %mul3A_1 = arith.constant 640 : i32
    %mul3A_2 = arith.muli %arg1, %mul3A_1 : i32
    "tpu.region"() ({
      %run_scoped3A = tpu.sem_alloc : memref<!tpu.dma_semaphore, #tpu.memory_space<semaphore_mem>>
      %dma_start3A = arith.constant 0 : i32
      %dma_start3A_13 = tpu.memref_slice %arg11[%mul3A_2, %dma_start3A] : memref<10240x16xf32, #tpu.memory_space<vmem_shared>> -> memref<640x16xf32, #tpu.memory_space<vmem_shared>>
      tpu.enqueue_dma source(%arg5 : memref<640x16xf32, #tpu.memory_space<hbm>>) target(%dma_start3A_13 : memref<640x16xf32, #tpu.memory_space<vmem_shared>>) target_semaphore(%run_scoped3A : memref<!tpu.dma_semaphore, #tpu.memory_space<semaphore_mem>>)
      %dma_wait3A = arith.constant 0 : i32
      %dma_wait3A_14 = tpu.memref_slice %arg11[%mul3A_2, %dma_wait3A] : memref<10240x16xf32, #tpu.memory_space<vmem_shared>> -> memref<640x16xf32, #tpu.memory_space<vmem_shared>>
      tpu.wait_dma2 semaphore(%run_scoped3A : memref<!tpu.dma_semaphore, #tpu.memory_space<semaphore_mem>>) src(%arg5 : memref<640x16xf32, #tpu.memory_space<hbm>>) dst(%dma_wait3A_14 : memref<640x16xf32, #tpu.memory_space<vmem_shared>>)
      tpu.yield
    }) : () -> ()
    %mul3A_3 = arith.constant 640 : i32
    %mul3A_4 = arith.muli %arg1, %mul3A_3 : i32
    "tpu.region"() ({
      %run_scoped3A = tpu.sem_alloc : memref<!tpu.dma_semaphore, #tpu.memory_space<semaphore_mem>>
      %dma_start3A = arith.constant 0 : i32
      %dma_start3A_13 = tpu.memref_slice %arg12[%mul3A_4, %dma_start3A] : memref<10240x16xf32, #tpu.memory_space<vmem_shared>> -> memref<640x16xf32, #tpu.memory_space<vmem_shared>>
      tpu.enqueue_dma source(%arg5 : memref<640x16xf32, #tpu.memory_space<hbm>>) target(%dma_start3A_13 : memref<640x16xf32, #tpu.memory_space<vmem_shared>>) target_semaphore(%run_scoped3A : memref<!tpu.dma_semaphore, #tpu.memory_space<semaphore_mem>>)
      %dma_wait3A = arith.constant 0 : i32
      %dma_wait3A_14 = tpu.memref_slice %arg12[%mul3A_4, %dma_wait3A] : memref<10240x16xf32, #tpu.memory_space<vmem_shared>> -> memref<640x16xf32, #tpu.memory_space<vmem_shared>>
      tpu.wait_dma2 semaphore(%run_scoped3A : memref<!tpu.dma_semaphore, #tpu.memory_space<semaphore_mem>>) src(%arg5 : memref<640x16xf32, #tpu.memory_space<hbm>>) dst(%dma_wait3A_14 : memref<640x16xf32, #tpu.memory_space<vmem_shared>>)
      tpu.yield
    }) : () -> ()
    %barrier3A = arith.constant 0 : index
    tpu.barrier barrier_id(%barrier3A)
    %scan3A = arith.constant 0 : i32
    %scan3A_5 = arith.constant 0 : i32
    %scan3A_6 = arith.constant 79 : i32
    %scan3A_7 = arith.addi %scan3A_5, %scan3A_6 : i32
    %scan3A_8 = arith.constant 1 : i32
    scf.for %scan3A_13 = %scan3A_5 to %scan3A_7 step %scan3A_8  : i32 {
      "tpu.region"() ({
        %run_scoped3A = tpu.sem_alloc : memref<!tpu.dma_semaphore, #tpu.memory_space<semaphore_mem>>
        %dma_start3A = arith.constant 0 : i32
        %dma_start3A_14 = tpu.memref_slice %arg8[%scan3A_13, %dma_start3A] : memref<79x128xi32, #tpu.memory_space<vmem>> -> memref<1x128xi32, #tpu.memory_space<vmem>>
        %dma_start3A_15 = tpu.memref_squeeze %dma_start3A_14 : memref<1x128xi32, #tpu.memory_space<vmem>> -> memref<128xi32, #tpu.memory_space<vmem>>
        %dma_start3A_16 = arith.constant 0 : i32
        %dma_start3A_17 = arith.constant 0 : i32
        %dma_start3A_18 = tpu.memref_slice %arg11[%dma_start3A_16, %dma_start3A_17] : memref<10240x16xf32, #tpu.memory_space<vmem_shared>> -> memref<10240x16xf32, #tpu.memory_space<vmem_shared>>
        tpu.enqueue_indirect_dma source(%arg10 : memref<128x16xf32, #tpu.memory_space<vmem>>) target(%dma_start3A_18 : memref<10240x16xf32, #tpu.memory_space<vmem_shared>>) offsets(%dma_start3A_15 : memref<128xi32, #tpu.memory_space<vmem>>) semaphore(%run_scoped3A : memref<!tpu.dma_semaphore, #tpu.memory_space<semaphore_mem>>) {add = true}
        %dma_wait3A = arith.constant 0 : i32
        %dma_wait3A_19 = tpu.memref_slice %arg8[%scan3A_13, %dma_wait3A] : memref<79x128xi32, #tpu.memory_space<vmem>> -> memref<1x128xi32, #tpu.memory_space<vmem>>
        %dma_wait3A_20 = tpu.memref_squeeze %dma_wait3A_19 : memref<1x128xi32, #tpu.memory_space<vmem>> -> memref<128xi32, #tpu.memory_space<vmem>>
        %dma_wait3A_21 = arith.constant 0 : i32
        %dma_wait3A_22 = arith.constant 0 : i32
        %dma_wait3A_23 = tpu.memref_slice %arg11[%dma_wait3A_21, %dma_wait3A_22] : memref<10240x16xf32, #tpu.memory_space<vmem_shared>> -> memref<10240x16xf32, #tpu.memory_space<vmem_shared>>
        tpu.wait_indirect_dma semaphore(%run_scoped3A : memref<!tpu.dma_semaphore, #tpu.memory_space<semaphore_mem>>) src(%arg10 : memref<128x16xf32, #tpu.memory_space<vmem>>) dst(%dma_wait3A_23 : memref<10240x16xf32, #tpu.memory_space<vmem_shared>>)
        tpu.yield
      }) : () -> ()
      "tpu.region"() ({
        %run_scoped3A = tpu.sem_alloc : memref<!tpu.dma_semaphore, #tpu.memory_space<semaphore_mem>>
        %dma_start3A = arith.constant 0 : i32
        %dma_start3A_14 = tpu.memref_slice %arg9[%scan3A_13, %dma_start3A] : memref<79x128xi32, #tpu.memory_space<vmem>> -> memref<1x128xi32, #tpu.memory_space<vmem>>
        %dma_start3A_15 = tpu.memref_squeeze %dma_start3A_14 : memref<1x128xi32, #tpu.memory_space<vmem>> -> memref<128xi32, #tpu.memory_space<vmem>>
        %dma_start3A_16 = arith.constant 0 : i32
        %dma_start3A_17 = arith.constant 0 : i32
        %dma_start3A_18 = tpu.memref_slice %arg12[%dma_start3A_16, %dma_start3A_17] : memref<10240x16xf32, #tpu.memory_space<vmem_shared>> -> memref<10240x16xf32, #tpu.memory_space<vmem_shared>>
        tpu.enqueue_indirect_dma source(%arg10 : memref<128x16xf32, #tpu.memory_space<vmem>>) target(%dma_start3A_18 : memref<10240x16xf32, #tpu.memory_space<vmem_shared>>) offsets(%dma_start3A_15 : memref<128xi32, #tpu.memory_space<vmem>>) semaphore(%run_scoped3A : memref<!tpu.dma_semaphore, #tpu.memory_space<semaphore_mem>>) {add = true}
        %dma_wait3A = arith.constant 0 : i32
        %dma_wait3A_19 = tpu.memref_slice %arg9[%scan3A_13, %dma_wait3A] : memref<79x128xi32, #tpu.memory_space<vmem>> -> memref<1x128xi32, #tpu.memory_space<vmem>>
        %dma_wait3A_20 = tpu.memref_squeeze %dma_wait3A_19 : memref<1x128xi32, #tpu.memory_space<vmem>> -> memref<128xi32, #tpu.memory_space<vmem>>
        %dma_wait3A_21 = arith.constant 0 : i32
        %dma_wait3A_22 = arith.constant 0 : i32
        %dma_wait3A_23 = tpu.memref_slice %arg12[%dma_wait3A_21, %dma_wait3A_22] : memref<10240x16xf32, #tpu.memory_space<vmem_shared>> -> memref<10240x16xf32, #tpu.memory_space<vmem_shared>>
        tpu.wait_indirect_dma semaphore(%run_scoped3A : memref<!tpu.dma_semaphore, #tpu.memory_space<semaphore_mem>>) src(%arg10 : memref<128x16xf32, #tpu.memory_space<vmem>>) dst(%dma_wait3A_23 : memref<10240x16xf32, #tpu.memory_space<vmem_shared>>)
        tpu.yield
      }) : () -> ()
    }
    %scan3A_9 = arith.constant 79 : i32
    %barrier3A_10 = arith.constant 0 : index
    tpu.barrier barrier_id(%barrier3A_10)
    %mul3A_11 = arith.constant 640 : i32
    %mul3A_12 = arith.muli %arg1, %mul3A_11 : i32
    "tpu.region"() ({
      %run_scoped3A = tpu.sem_alloc : memref<!tpu.dma_semaphore, #tpu.memory_space<semaphore_mem>>
      %dma_start3A = arith.constant 0 : i32
      %dma_start3A_13 = arith.constant 0 : i32
      %dma_start3A_14 = tpu.memref_slice %arg6[%arg0, %dma_start3A, %dma_start3A_13] : memref<2x10240x16xf32, #tpu.memory_space<hbm>> -> memref<1x10240x16xf32, #tpu.memory_space<hbm>>
      %dma_start3A_15 = tpu.memref_squeeze %dma_start3A_14 : memref<1x10240x16xf32, #tpu.memory_space<hbm>> -> memref<10240x16xf32, #tpu.memory_space<hbm>>
      %dma_start3A_16 = arith.constant 0 : i32
      %dma_start3A_17 = tpu.memref_slice %dma_start3A_15[%mul3A_12, %dma_start3A_16] : memref<10240x16xf32, #tpu.memory_space<hbm>> -> memref<640x16xf32, #tpu.memory_space<hbm>>
      %dma_start3A_18 = arith.constant 0 : i32
      %dma_start3A_19 = tpu.memref_slice %arg11[%mul3A_12, %dma_start3A_18] : memref<10240x16xf32, #tpu.memory_space<vmem_shared>> -> memref<640x16xf32, #tpu.memory_space<vmem_shared>>
      tpu.enqueue_dma source(%dma_start3A_19 : memref<640x16xf32, #tpu.memory_space<vmem_shared>>) target(%dma_start3A_17 : memref<640x16xf32, #tpu.memory_space<hbm>>) target_semaphore(%run_scoped3A : memref<!tpu.dma_semaphore, #tpu.memory_space<semaphore_mem>>)
      %dma_wait3A = arith.constant 0 : i32
      %dma_wait3A_20 = arith.constant 0 : i32
      %dma_wait3A_21 = tpu.memref_slice %arg6[%arg0, %dma_wait3A, %dma_wait3A_20] : memref<2x10240x16xf32, #tpu.memory_space<hbm>> -> memref<1x10240x16xf32, #tpu.memory_space<hbm>>
      %dma_wait3A_22 = tpu.memref_squeeze %dma_wait3A_21 : memref<1x10240x16xf32, #tpu.memory_space<hbm>> -> memref<10240x16xf32, #tpu.memory_space<hbm>>
      %dma_wait3A_23 = arith.constant 0 : i32
      %dma_wait3A_24 = tpu.memref_slice %dma_wait3A_22[%mul3A_12, %dma_wait3A_23] : memref<10240x16xf32, #tpu.memory_space<hbm>> -> memref<640x16xf32, #tpu.memory_space<hbm>>
      %dma_wait3A_25 = arith.constant 0 : i32
      %dma_wait3A_26 = tpu.memref_slice %arg11[%mul3A_12, %dma_wait3A_25] : memref<10240x16xf32, #tpu.memory_space<vmem_shared>> -> memref<640x16xf32, #tpu.memory_space<vmem_shared>>
      tpu.wait_dma2 semaphore(%run_scoped3A : memref<!tpu.dma_semaphore, #tpu.memory_space<semaphore_mem>>) src(%dma_wait3A_26 : memref<640x16xf32, #tpu.memory_space<vmem_shared>>) dst(%dma_wait3A_24 : memref<640x16xf32, #tpu.memory_space<hbm>>)
      tpu.yield
    }) : () -> ()
    "tpu.region"() ({
      %run_scoped3A = tpu.sem_alloc : memref<!tpu.dma_semaphore, #tpu.memory_space<semaphore_mem>>
      %dma_start3A = arith.constant 0 : i32
      %dma_start3A_13 = arith.constant 0 : i32
      %dma_start3A_14 = tpu.memref_slice %arg7[%arg0, %dma_start3A, %dma_start3A_13] : memref<2x10240x16xf32, #tpu.memory_space<hbm>> -> memref<1x10240x16xf32, #tpu.memory_space<hbm>>
      %dma_start3A_15 = tpu.memref_squeeze %dma_start3A_14 : memref<1x10240x16xf32, #tpu.memory_space<hbm>> -> memref<10240x16xf32, #tpu.memory_space<hbm>>
      %dma_start3A_16 = arith.constant 0 : i32
      %dma_start3A_17 = tpu.memref_slice %dma_start3A_15[%mul3A_12, %dma_start3A_16] : memref<10240x16xf32, #tpu.memory_space<hbm>> -> memref<640x16xf32, #tpu.memory_space<hbm>>
      %dma_start3A_18 = arith.constant 0 : i32
      %dma_start3A_19 = tpu.memref_slice %arg12[%mul3A_12, %dma_start3A_18] : memref<10240x16xf32, #tpu.memory_space<vmem_shared>> -> memref<640x16xf32, #tpu.memory_space<vmem_shared>>
      tpu.enqueue_dma source(%dma_start3A_19 : memref<640x16xf32, #tpu.memory_space<vmem_shared>>) target(%dma_start3A_17 : memref<640x16xf32, #tpu.memory_space<hbm>>) target_semaphore(%run_scoped3A : memref<!tpu.dma_semaphore, #tpu.memory_space<semaphore_mem>>)
      %dma_wait3A = arith.constant 0 : i32
      %dma_wait3A_20 = arith.constant 0 : i32
      %dma_wait3A_21 = tpu.memref_slice %arg7[%arg0, %dma_wait3A, %dma_wait3A_20] : memref<2x10240x16xf32, #tpu.memory_space<hbm>> -> memref<1x10240x16xf32, #tpu.memory_space<hbm>>
      %dma_wait3A_22 = tpu.memref_squeeze %dma_wait3A_21 : memref<1x10240x16xf32, #tpu.memory_space<hbm>> -> memref<10240x16xf32, #tpu.memory_space<hbm>>
      %dma_wait3A_23 = arith.constant 0 : i32
      %dma_wait3A_24 = tpu.memref_slice %dma_wait3A_22[%mul3A_12, %dma_wait3A_23] : memref<10240x16xf32, #tpu.memory_space<hbm>> -> memref<640x16xf32, #tpu.memory_space<hbm>>
      %dma_wait3A_25 = arith.constant 0 : i32
      %dma_wait3A_26 = tpu.memref_slice %arg12[%mul3A_12, %dma_wait3A_25] : memref<10240x16xf32, #tpu.memory_space<vmem_shared>> -> memref<640x16xf32, #tpu.memory_space<vmem_shared>>
      tpu.wait_dma2 semaphore(%run_scoped3A : memref<!tpu.dma_semaphore, #tpu.memory_space<semaphore_mem>>) src(%dma_wait3A_26 : memref<640x16xf32, #tpu.memory_space<vmem_shared>>) dst(%dma_wait3A_24 : memref<640x16xf32, #tpu.memory_space<hbm>>)
      tpu.yield
    }) : () -> ()
    return
  }
}

#map = affine_map<(d0, d1) -> (0, 0)>
#map1 = affine_map<(d0, d1) -> (0, 0, 0)>
module attributes {stable_mosaic.version = 14 : i64} {
  func.func @_sc_agg_body(%arg0: i32, %arg1: i32, %arg2: memref<10240x128xf32, #tpu.memory_space<hbm>>, %arg3: memref<32x79x128xi32, #tpu.memory_space<hbm>>, %arg4: memref<32x79x128xi32, #tpu.memory_space<hbm>>, %arg5: memref<640x128xf32, #tpu.memory_space<hbm>>, %arg6: memref<2x10240x128xf32, #tpu.memory_space<hbm>>, %arg7: memref<79x128xi32, #tpu.memory_space<vmem>>, %arg8: memref<79x128xi32, #tpu.memory_space<vmem>>, %arg9: memref<128x128xf32, #tpu.memory_space<vmem>>, %arg10: memref<10240x128xf32, #tpu.memory_space<vmem_shared>>, %arg11: memref<!tpu.dma_semaphore, #tpu.memory_space<semaphore_mem>>) attributes {dimension_semantics = [#tpu.dimension_semantics<core_parallel>, #tpu.dimension_semantics<subcore_parallel>], iteration_bounds = array<i64: 2, 16>, scalar_prefetch = 0 : i64, scratch_operands = 5 : i64, tpu.core_type = #tpu.core_type<sc_vector_subcore>, window_params = [{transform_indices = #map}, {transform_indices = #map1}, {transform_indices = #map1}, {transform_indices = #map}, {transform_indices = #map1}]} {
    %mul3A = arith.constant 16 : i32
    %mul3A_0 = arith.muli %arg0, %mul3A : i32
    %add3A = arith.addi %mul3A_0, %arg1 : i32
    "tpu.region"() ({
      %run_scoped3A = tpu.sem_alloc : memref<!tpu.dma_semaphore, #tpu.memory_space<semaphore_mem>>
      %dma_start3A = arith.constant 0 : i32
      %dma_start3A_11 = arith.constant 0 : i32
      %dma_start3A_12 = tpu.memref_slice %arg3[%add3A, %dma_start3A, %dma_start3A_11] : memref<32x79x128xi32, #tpu.memory_space<hbm>> -> memref<1x79x128xi32, #tpu.memory_space<hbm>>
      %dma_start3A_13 = tpu.memref_squeeze %dma_start3A_12 : memref<1x79x128xi32, #tpu.memory_space<hbm>> -> memref<79x128xi32, #tpu.memory_space<hbm>>
      %dma_start3A_14 = arith.constant 0 : i32
      %dma_start3A_15 = arith.constant 0 : i32
      %dma_start3A_16 = tpu.memref_slice %arg3[%add3A, %dma_start3A_14, %dma_start3A_15] : memref<32x79x128xi32, #tpu.memory_space<hbm>> -> memref<1x79x128xi32, #tpu.memory_space<hbm>>
      %dma_start3A_17 = tpu.memref_squeeze %dma_start3A_16 : memref<1x79x128xi32, #tpu.memory_space<hbm>> -> memref<79x128xi32, #tpu.memory_space<hbm>>
      tpu.enqueue_dma source(%dma_start3A_17 : memref<79x128xi32, #tpu.memory_space<hbm>>) target(%arg7 : memref<79x128xi32, #tpu.memory_space<vmem>>) target_semaphore(%run_scoped3A : memref<!tpu.dma_semaphore, #tpu.memory_space<semaphore_mem>>)
      %dma_wait3A = arith.constant 0 : i32
      %dma_wait3A_18 = arith.constant 0 : i32
      %dma_wait3A_19 = tpu.memref_slice %arg3[%add3A, %dma_wait3A, %dma_wait3A_18] : memref<32x79x128xi32, #tpu.memory_space<hbm>> -> memref<1x79x128xi32, #tpu.memory_space<hbm>>
      %dma_wait3A_20 = tpu.memref_squeeze %dma_wait3A_19 : memref<1x79x128xi32, #tpu.memory_space<hbm>> -> memref<79x128xi32, #tpu.memory_space<hbm>>
      %dma_wait3A_21 = arith.constant 0 : i32
      %dma_wait3A_22 = arith.constant 0 : i32
      %dma_wait3A_23 = tpu.memref_slice %arg3[%add3A, %dma_wait3A_21, %dma_wait3A_22] : memref<32x79x128xi32, #tpu.memory_space<hbm>> -> memref<1x79x128xi32, #tpu.memory_space<hbm>>
      %dma_wait3A_24 = tpu.memref_squeeze %dma_wait3A_23 : memref<1x79x128xi32, #tpu.memory_space<hbm>> -> memref<79x128xi32, #tpu.memory_space<hbm>>
      tpu.wait_dma2 semaphore(%run_scoped3A : memref<!tpu.dma_semaphore, #tpu.memory_space<semaphore_mem>>) src(%dma_wait3A_24 : memref<79x128xi32, #tpu.memory_space<hbm>>) dst(%arg7 : memref<79x128xi32, #tpu.memory_space<vmem>>)
      tpu.yield
    }) : () -> ()
    "tpu.region"() ({
      %run_scoped3A = tpu.sem_alloc : memref<!tpu.dma_semaphore, #tpu.memory_space<semaphore_mem>>
      %dma_start3A = arith.constant 0 : i32
      %dma_start3A_11 = arith.constant 0 : i32
      %dma_start3A_12 = tpu.memref_slice %arg4[%add3A, %dma_start3A, %dma_start3A_11] : memref<32x79x128xi32, #tpu.memory_space<hbm>> -> memref<1x79x128xi32, #tpu.memory_space<hbm>>
      %dma_start3A_13 = tpu.memref_squeeze %dma_start3A_12 : memref<1x79x128xi32, #tpu.memory_space<hbm>> -> memref<79x128xi32, #tpu.memory_space<hbm>>
      %dma_start3A_14 = arith.constant 0 : i32
      %dma_start3A_15 = arith.constant 0 : i32
      %dma_start3A_16 = tpu.memref_slice %arg4[%add3A, %dma_start3A_14, %dma_start3A_15] : memref<32x79x128xi32, #tpu.memory_space<hbm>> -> memref<1x79x128xi32, #tpu.memory_space<hbm>>
      %dma_start3A_17 = tpu.memref_squeeze %dma_start3A_16 : memref<1x79x128xi32, #tpu.memory_space<hbm>> -> memref<79x128xi32, #tpu.memory_space<hbm>>
      tpu.enqueue_dma source(%dma_start3A_17 : memref<79x128xi32, #tpu.memory_space<hbm>>) target(%arg8 : memref<79x128xi32, #tpu.memory_space<vmem>>) target_semaphore(%run_scoped3A : memref<!tpu.dma_semaphore, #tpu.memory_space<semaphore_mem>>)
      %dma_wait3A = arith.constant 0 : i32
      %dma_wait3A_18 = arith.constant 0 : i32
      %dma_wait3A_19 = tpu.memref_slice %arg4[%add3A, %dma_wait3A, %dma_wait3A_18] : memref<32x79x128xi32, #tpu.memory_space<hbm>> -> memref<1x79x128xi32, #tpu.memory_space<hbm>>
      %dma_wait3A_20 = tpu.memref_squeeze %dma_wait3A_19 : memref<1x79x128xi32, #tpu.memory_space<hbm>> -> memref<79x128xi32, #tpu.memory_space<hbm>>
      %dma_wait3A_21 = arith.constant 0 : i32
      %dma_wait3A_22 = arith.constant 0 : i32
      %dma_wait3A_23 = tpu.memref_slice %arg4[%add3A, %dma_wait3A_21, %dma_wait3A_22] : memref<32x79x128xi32, #tpu.memory_space<hbm>> -> memref<1x79x128xi32, #tpu.memory_space<hbm>>
      %dma_wait3A_24 = tpu.memref_squeeze %dma_wait3A_23 : memref<1x79x128xi32, #tpu.memory_space<hbm>> -> memref<79x128xi32, #tpu.memory_space<hbm>>
      tpu.wait_dma2 semaphore(%run_scoped3A : memref<!tpu.dma_semaphore, #tpu.memory_space<semaphore_mem>>) src(%dma_wait3A_24 : memref<79x128xi32, #tpu.memory_space<hbm>>) dst(%arg8 : memref<79x128xi32, #tpu.memory_space<vmem>>)
      tpu.yield
    }) : () -> ()
    %mul3A_1 = arith.constant 640 : i32
    %mul3A_2 = arith.muli %arg1, %mul3A_1 : i32
    "tpu.region"() ({
      %run_scoped3A = tpu.sem_alloc : memref<!tpu.dma_semaphore, #tpu.memory_space<semaphore_mem>>
      %dma_start3A = arith.constant 0 : i32
      %dma_start3A_11 = tpu.memref_slice %arg10[%mul3A_2, %dma_start3A] : memref<10240x128xf32, #tpu.memory_space<vmem_shared>> -> memref<640x128xf32, #tpu.memory_space<vmem_shared>>
      tpu.enqueue_dma source(%arg5 : memref<640x128xf32, #tpu.memory_space<hbm>>) target(%dma_start3A_11 : memref<640x128xf32, #tpu.memory_space<vmem_shared>>) target_semaphore(%run_scoped3A : memref<!tpu.dma_semaphore, #tpu.memory_space<semaphore_mem>>)
      %dma_wait3A = arith.constant 0 : i32
      %dma_wait3A_12 = tpu.memref_slice %arg10[%mul3A_2, %dma_wait3A] : memref<10240x128xf32, #tpu.memory_space<vmem_shared>> -> memref<640x128xf32, #tpu.memory_space<vmem_shared>>
      tpu.wait_dma2 semaphore(%run_scoped3A : memref<!tpu.dma_semaphore, #tpu.memory_space<semaphore_mem>>) src(%arg5 : memref<640x128xf32, #tpu.memory_space<hbm>>) dst(%dma_wait3A_12 : memref<640x128xf32, #tpu.memory_space<vmem_shared>>)
      tpu.yield
    }) : () -> ()
    %barrier3A = arith.constant 0 : index
    tpu.barrier barrier_id(%barrier3A)
    %scan3A = arith.constant 0 : i32
    %scan3A_3 = arith.constant 0 : i32
    %scan3A_4 = arith.constant 79 : i32
    %scan3A_5 = arith.addi %scan3A_3, %scan3A_4 : i32
    %scan3A_6 = arith.constant 1 : i32
    scf.for %scan3A_11 = %scan3A_3 to %scan3A_5 step %scan3A_6  : i32 {
      %dma_start3A = arith.constant 0 : i32
      %dma_start3A_12 = tpu.memref_slice %arg7[%scan3A_11, %dma_start3A] : memref<79x128xi32, #tpu.memory_space<vmem>> -> memref<1x128xi32, #tpu.memory_space<vmem>>
      %dma_start3A_13 = tpu.memref_squeeze %dma_start3A_12 : memref<1x128xi32, #tpu.memory_space<vmem>> -> memref<128xi32, #tpu.memory_space<vmem>>
      %dma_start3A_14 = arith.constant 0 : i32
      %dma_start3A_15 = arith.constant 0 : i32
      %dma_start3A_16 = tpu.memref_slice %arg2[%dma_start3A_14, %dma_start3A_15] : memref<10240x128xf32, #tpu.memory_space<hbm>> -> memref<10240x128xf32, #tpu.memory_space<hbm>>
      tpu.enqueue_indirect_dma source(%dma_start3A_16 : memref<10240x128xf32, #tpu.memory_space<hbm>>) target(%arg9 : memref<128x128xf32, #tpu.memory_space<vmem>>) offsets(%dma_start3A_13 : memref<128xi32, #tpu.memory_space<vmem>>) semaphore(%arg11 : memref<!tpu.dma_semaphore, #tpu.memory_space<semaphore_mem>>)
      %dma_wait3A = arith.constant 0 : i32
      %dma_wait3A_17 = tpu.memref_slice %arg7[%scan3A_11, %dma_wait3A] : memref<79x128xi32, #tpu.memory_space<vmem>> -> memref<1x128xi32, #tpu.memory_space<vmem>>
      %dma_wait3A_18 = tpu.memref_squeeze %dma_wait3A_17 : memref<1x128xi32, #tpu.memory_space<vmem>> -> memref<128xi32, #tpu.memory_space<vmem>>
      %dma_wait3A_19 = arith.constant 0 : i32
      %dma_wait3A_20 = arith.constant 0 : i32
      %dma_wait3A_21 = tpu.memref_slice %arg2[%dma_wait3A_19, %dma_wait3A_20] : memref<10240x128xf32, #tpu.memory_space<hbm>> -> memref<10240x128xf32, #tpu.memory_space<hbm>>
      tpu.wait_indirect_dma semaphore(%arg11 : memref<!tpu.dma_semaphore, #tpu.memory_space<semaphore_mem>>) src(%dma_wait3A_21 : memref<10240x128xf32, #tpu.memory_space<hbm>>) dst(%arg9 : memref<128x128xf32, #tpu.memory_space<vmem>>)
      "tpu.region"() ({
        %run_scoped3A = tpu.sem_alloc : memref<!tpu.dma_semaphore, #tpu.memory_space<semaphore_mem>>
        %dma_start3A_22 = arith.constant 0 : i32
        %dma_start3A_23 = tpu.memref_slice %arg8[%scan3A_11, %dma_start3A_22] : memref<79x128xi32, #tpu.memory_space<vmem>> -> memref<1x128xi32, #tpu.memory_space<vmem>>
        %dma_start3A_24 = tpu.memref_squeeze %dma_start3A_23 : memref<1x128xi32, #tpu.memory_space<vmem>> -> memref<128xi32, #tpu.memory_space<vmem>>
        %dma_start3A_25 = arith.constant 0 : i32
        %dma_start3A_26 = arith.constant 0 : i32
        %dma_start3A_27 = tpu.memref_slice %arg10[%dma_start3A_25, %dma_start3A_26] : memref<10240x128xf32, #tpu.memory_space<vmem_shared>> -> memref<10240x128xf32, #tpu.memory_space<vmem_shared>>
        tpu.enqueue_indirect_dma source(%arg9 : memref<128x128xf32, #tpu.memory_space<vmem>>) target(%dma_start3A_27 : memref<10240x128xf32, #tpu.memory_space<vmem_shared>>) offsets(%dma_start3A_24 : memref<128xi32, #tpu.memory_space<vmem>>) semaphore(%run_scoped3A : memref<!tpu.dma_semaphore, #tpu.memory_space<semaphore_mem>>) {add = true}
        %dma_wait3A_28 = arith.constant 0 : i32
        %dma_wait3A_29 = tpu.memref_slice %arg8[%scan3A_11, %dma_wait3A_28] : memref<79x128xi32, #tpu.memory_space<vmem>> -> memref<1x128xi32, #tpu.memory_space<vmem>>
        %dma_wait3A_30 = tpu.memref_squeeze %dma_wait3A_29 : memref<1x128xi32, #tpu.memory_space<vmem>> -> memref<128xi32, #tpu.memory_space<vmem>>
        %dma_wait3A_31 = arith.constant 0 : i32
        %dma_wait3A_32 = arith.constant 0 : i32
        %dma_wait3A_33 = tpu.memref_slice %arg10[%dma_wait3A_31, %dma_wait3A_32] : memref<10240x128xf32, #tpu.memory_space<vmem_shared>> -> memref<10240x128xf32, #tpu.memory_space<vmem_shared>>
        tpu.wait_indirect_dma semaphore(%run_scoped3A : memref<!tpu.dma_semaphore, #tpu.memory_space<semaphore_mem>>) src(%arg9 : memref<128x128xf32, #tpu.memory_space<vmem>>) dst(%dma_wait3A_33 : memref<10240x128xf32, #tpu.memory_space<vmem_shared>>)
        tpu.yield
      }) : () -> ()
    }
    %scan3A_7 = arith.constant 79 : i32
    %barrier3A_8 = arith.constant 0 : index
    tpu.barrier barrier_id(%barrier3A_8)
    %mul3A_9 = arith.constant 640 : i32
    %mul3A_10 = arith.muli %arg1, %mul3A_9 : i32
    "tpu.region"() ({
      %run_scoped3A = tpu.sem_alloc : memref<!tpu.dma_semaphore, #tpu.memory_space<semaphore_mem>>
      %dma_start3A = arith.constant 0 : i32
      %dma_start3A_11 = arith.constant 0 : i32
      %dma_start3A_12 = tpu.memref_slice %arg6[%arg0, %dma_start3A, %dma_start3A_11] : memref<2x10240x128xf32, #tpu.memory_space<hbm>> -> memref<1x10240x128xf32, #tpu.memory_space<hbm>>
      %dma_start3A_13 = tpu.memref_squeeze %dma_start3A_12 : memref<1x10240x128xf32, #tpu.memory_space<hbm>> -> memref<10240x128xf32, #tpu.memory_space<hbm>>
      %dma_start3A_14 = arith.constant 0 : i32
      %dma_start3A_15 = tpu.memref_slice %dma_start3A_13[%mul3A_10, %dma_start3A_14] : memref<10240x128xf32, #tpu.memory_space<hbm>> -> memref<640x128xf32, #tpu.memory_space<hbm>>
      %dma_start3A_16 = arith.constant 0 : i32
      %dma_start3A_17 = tpu.memref_slice %arg10[%mul3A_10, %dma_start3A_16] : memref<10240x128xf32, #tpu.memory_space<vmem_shared>> -> memref<640x128xf32, #tpu.memory_space<vmem_shared>>
      tpu.enqueue_dma source(%dma_start3A_17 : memref<640x128xf32, #tpu.memory_space<vmem_shared>>) target(%dma_start3A_15 : memref<640x128xf32, #tpu.memory_space<hbm>>) target_semaphore(%run_scoped3A : memref<!tpu.dma_semaphore, #tpu.memory_space<semaphore_mem>>)
      %dma_wait3A = arith.constant 0 : i32
      %dma_wait3A_18 = arith.constant 0 : i32
      %dma_wait3A_19 = tpu.memref_slice %arg6[%arg0, %dma_wait3A, %dma_wait3A_18] : memref<2x10240x128xf32, #tpu.memory_space<hbm>> -> memref<1x10240x128xf32, #tpu.memory_space<hbm>>
      %dma_wait3A_20 = tpu.memref_squeeze %dma_wait3A_19 : memref<1x10240x128xf32, #tpu.memory_space<hbm>> -> memref<10240x128xf32, #tpu.memory_space<hbm>>
      %dma_wait3A_21 = arith.constant 0 : i32
      %dma_wait3A_22 = tpu.memref_slice %dma_wait3A_20[%mul3A_10, %dma_wait3A_21] : memref<10240x128xf32, #tpu.memory_space<hbm>> -> memref<640x128xf32, #tpu.memory_space<hbm>>
      %dma_wait3A_23 = arith.constant 0 : i32
      %dma_wait3A_24 = tpu.memref_slice %arg10[%mul3A_10, %dma_wait3A_23] : memref<10240x128xf32, #tpu.memory_space<vmem_shared>> -> memref<640x128xf32, #tpu.memory_space<vmem_shared>>
      tpu.wait_dma2 semaphore(%run_scoped3A : memref<!tpu.dma_semaphore, #tpu.memory_space<semaphore_mem>>) src(%dma_wait3A_24 : memref<640x128xf32, #tpu.memory_space<vmem_shared>>) dst(%dma_wait3A_22 : memref<640x128xf32, #tpu.memory_space<hbm>>)
      tpu.yield
    }) : () -> ()
    return
  }
}

#map = affine_map<(d0, d1) -> (0, 0)>
#map1 = affine_map<(d0, d1) -> (0, 0, 0)>
module attributes {stable_mosaic.version = 14 : i64} {
  func.func @_sc_agg_body(%arg0: i32, %arg1: i32, %arg2: memref<10240x128xf32, #tpu.memory_space<hbm>>, %arg3: memref<32x79x128xi32, #tpu.memory_space<hbm>>, %arg4: memref<32x79x128xi32, #tpu.memory_space<hbm>>, %arg5: memref<640x128xf32, #tpu.memory_space<hbm>>, %arg6: memref<2x10240x128xf32, #tpu.memory_space<hbm>>, %arg7: memref<79x128xi32, #tpu.memory_space<vmem>>, %arg8: memref<79x128xi32, #tpu.memory_space<vmem>>, %arg9: memref<128x128xf32, #tpu.memory_space<vmem>>, %arg10: memref<10240x128xf32, #tpu.memory_space<vmem_shared>>, %arg11: memref<!tpu.dma_semaphore, #tpu.memory_space<semaphore_mem>>) attributes {dimension_semantics = [#tpu.dimension_semantics<core_parallel>, #tpu.dimension_semantics<subcore_parallel>], iteration_bounds = array<i64: 2, 16>, scalar_prefetch = 0 : i64, scratch_operands = 5 : i64, tpu.core_type = #tpu.core_type<sc_vector_subcore>, window_params = [{transform_indices = #map}, {transform_indices = #map1}, {transform_indices = #map1}, {transform_indices = #map}, {transform_indices = #map1}]} {
    %mul3A = arith.constant 16 : i32
    %mul3A_0 = arith.muli %arg0, %mul3A : i32
    %add3A = arith.addi %mul3A_0, %arg1 : i32
    "tpu.region"() ({
      %run_scoped3A = tpu.sem_alloc : memref<!tpu.dma_semaphore, #tpu.memory_space<semaphore_mem>>
      %dma_start3A = arith.constant 0 : i32
      %dma_start3A_11 = arith.constant 0 : i32
      %dma_start3A_12 = tpu.memref_slice %arg3[%add3A, %dma_start3A, %dma_start3A_11] : memref<32x79x128xi32, #tpu.memory_space<hbm>> -> memref<1x79x128xi32, #tpu.memory_space<hbm>>
      %dma_start3A_13 = tpu.memref_squeeze %dma_start3A_12 : memref<1x79x128xi32, #tpu.memory_space<hbm>> -> memref<79x128xi32, #tpu.memory_space<hbm>>
      %dma_start3A_14 = arith.constant 0 : i32
      %dma_start3A_15 = arith.constant 0 : i32
      %dma_start3A_16 = tpu.memref_slice %arg3[%add3A, %dma_start3A_14, %dma_start3A_15] : memref<32x79x128xi32, #tpu.memory_space<hbm>> -> memref<1x79x128xi32, #tpu.memory_space<hbm>>
      %dma_start3A_17 = tpu.memref_squeeze %dma_start3A_16 : memref<1x79x128xi32, #tpu.memory_space<hbm>> -> memref<79x128xi32, #tpu.memory_space<hbm>>
      tpu.enqueue_dma source(%dma_start3A_17 : memref<79x128xi32, #tpu.memory_space<hbm>>) target(%arg7 : memref<79x128xi32, #tpu.memory_space<vmem>>) target_semaphore(%run_scoped3A : memref<!tpu.dma_semaphore, #tpu.memory_space<semaphore_mem>>)
      %dma_wait3A = arith.constant 0 : i32
      %dma_wait3A_18 = arith.constant 0 : i32
      %dma_wait3A_19 = tpu.memref_slice %arg3[%add3A, %dma_wait3A, %dma_wait3A_18] : memref<32x79x128xi32, #tpu.memory_space<hbm>> -> memref<1x79x128xi32, #tpu.memory_space<hbm>>
      %dma_wait3A_20 = tpu.memref_squeeze %dma_wait3A_19 : memref<1x79x128xi32, #tpu.memory_space<hbm>> -> memref<79x128xi32, #tpu.memory_space<hbm>>
      %dma_wait3A_21 = arith.constant 0 : i32
      %dma_wait3A_22 = arith.constant 0 : i32
      %dma_wait3A_23 = tpu.memref_slice %arg3[%add3A, %dma_wait3A_21, %dma_wait3A_22] : memref<32x79x128xi32, #tpu.memory_space<hbm>> -> memref<1x79x128xi32, #tpu.memory_space<hbm>>
      %dma_wait3A_24 = tpu.memref_squeeze %dma_wait3A_23 : memref<1x79x128xi32, #tpu.memory_space<hbm>> -> memref<79x128xi32, #tpu.memory_space<hbm>>
      tpu.wait_dma2 semaphore(%run_scoped3A : memref<!tpu.dma_semaphore, #tpu.memory_space<semaphore_mem>>) src(%dma_wait3A_24 : memref<79x128xi32, #tpu.memory_space<hbm>>) dst(%arg7 : memref<79x128xi32, #tpu.memory_space<vmem>>)
      tpu.yield
    }) : () -> ()
    "tpu.region"() ({
      %run_scoped3A = tpu.sem_alloc : memref<!tpu.dma_semaphore, #tpu.memory_space<semaphore_mem>>
      %dma_start3A = arith.constant 0 : i32
      %dma_start3A_11 = arith.constant 0 : i32
      %dma_start3A_12 = tpu.memref_slice %arg4[%add3A, %dma_start3A, %dma_start3A_11] : memref<32x79x128xi32, #tpu.memory_space<hbm>> -> memref<1x79x128xi32, #tpu.memory_space<hbm>>
      %dma_start3A_13 = tpu.memref_squeeze %dma_start3A_12 : memref<1x79x128xi32, #tpu.memory_space<hbm>> -> memref<79x128xi32, #tpu.memory_space<hbm>>
      %dma_start3A_14 = arith.constant 0 : i32
      %dma_start3A_15 = arith.constant 0 : i32
      %dma_start3A_16 = tpu.memref_slice %arg4[%add3A, %dma_start3A_14, %dma_start3A_15] : memref<32x79x128xi32, #tpu.memory_space<hbm>> -> memref<1x79x128xi32, #tpu.memory_space<hbm>>
      %dma_start3A_17 = tpu.memref_squeeze %dma_start3A_16 : memref<1x79x128xi32, #tpu.memory_space<hbm>> -> memref<79x128xi32, #tpu.memory_space<hbm>>
      tpu.enqueue_dma source(%dma_start3A_17 : memref<79x128xi32, #tpu.memory_space<hbm>>) target(%arg8 : memref<79x128xi32, #tpu.memory_space<vmem>>) target_semaphore(%run_scoped3A : memref<!tpu.dma_semaphore, #tpu.memory_space<semaphore_mem>>)
      %dma_wait3A = arith.constant 0 : i32
      %dma_wait3A_18 = arith.constant 0 : i32
      %dma_wait3A_19 = tpu.memref_slice %arg4[%add3A, %dma_wait3A, %dma_wait3A_18] : memref<32x79x128xi32, #tpu.memory_space<hbm>> -> memref<1x79x128xi32, #tpu.memory_space<hbm>>
      %dma_wait3A_20 = tpu.memref_squeeze %dma_wait3A_19 : memref<1x79x128xi32, #tpu.memory_space<hbm>> -> memref<79x128xi32, #tpu.memory_space<hbm>>
      %dma_wait3A_21 = arith.constant 0 : i32
      %dma_wait3A_22 = arith.constant 0 : i32
      %dma_wait3A_23 = tpu.memref_slice %arg4[%add3A, %dma_wait3A_21, %dma_wait3A_22] : memref<32x79x128xi32, #tpu.memory_space<hbm>> -> memref<1x79x128xi32, #tpu.memory_space<hbm>>
      %dma_wait3A_24 = tpu.memref_squeeze %dma_wait3A_23 : memref<1x79x128xi32, #tpu.memory_space<hbm>> -> memref<79x128xi32, #tpu.memory_space<hbm>>
      tpu.wait_dma2 semaphore(%run_scoped3A : memref<!tpu.dma_semaphore, #tpu.memory_space<semaphore_mem>>) src(%dma_wait3A_24 : memref<79x128xi32, #tpu.memory_space<hbm>>) dst(%arg8 : memref<79x128xi32, #tpu.memory_space<vmem>>)
      tpu.yield
    }) : () -> ()
    %mul3A_1 = arith.constant 640 : i32
    %mul3A_2 = arith.muli %arg1, %mul3A_1 : i32
    "tpu.region"() ({
      %run_scoped3A = tpu.sem_alloc : memref<!tpu.dma_semaphore, #tpu.memory_space<semaphore_mem>>
      %dma_start3A = arith.constant 0 : i32
      %dma_start3A_11 = tpu.memref_slice %arg10[%mul3A_2, %dma_start3A] : memref<10240x128xf32, #tpu.memory_space<vmem_shared>> -> memref<640x128xf32, #tpu.memory_space<vmem_shared>>
      tpu.enqueue_dma source(%arg5 : memref<640x128xf32, #tpu.memory_space<hbm>>) target(%dma_start3A_11 : memref<640x128xf32, #tpu.memory_space<vmem_shared>>) target_semaphore(%run_scoped3A : memref<!tpu.dma_semaphore, #tpu.memory_space<semaphore_mem>>)
      %dma_wait3A = arith.constant 0 : i32
      %dma_wait3A_12 = tpu.memref_slice %arg10[%mul3A_2, %dma_wait3A] : memref<10240x128xf32, #tpu.memory_space<vmem_shared>> -> memref<640x128xf32, #tpu.memory_space<vmem_shared>>
      tpu.wait_dma2 semaphore(%run_scoped3A : memref<!tpu.dma_semaphore, #tpu.memory_space<semaphore_mem>>) src(%arg5 : memref<640x128xf32, #tpu.memory_space<hbm>>) dst(%dma_wait3A_12 : memref<640x128xf32, #tpu.memory_space<vmem_shared>>)
      tpu.yield
    }) : () -> ()
    %barrier3A = arith.constant 0 : index
    tpu.barrier barrier_id(%barrier3A)
    %scan3A = arith.constant 0 : i32
    %scan3A_3 = arith.constant 0 : i32
    %scan3A_4 = arith.constant 79 : i32
    %scan3A_5 = arith.addi %scan3A_3, %scan3A_4 : i32
    %scan3A_6 = arith.constant 1 : i32
    scf.for %scan3A_11 = %scan3A_3 to %scan3A_5 step %scan3A_6  : i32 {
      %dma_start3A = arith.constant 0 : i32
      %dma_start3A_12 = tpu.memref_slice %arg7[%scan3A_11, %dma_start3A] : memref<79x128xi32, #tpu.memory_space<vmem>> -> memref<1x128xi32, #tpu.memory_space<vmem>>
      %dma_start3A_13 = tpu.memref_squeeze %dma_start3A_12 : memref<1x128xi32, #tpu.memory_space<vmem>> -> memref<128xi32, #tpu.memory_space<vmem>>
      %dma_start3A_14 = arith.constant 0 : i32
      %dma_start3A_15 = arith.constant 0 : i32
      %dma_start3A_16 = tpu.memref_slice %arg2[%dma_start3A_14, %dma_start3A_15] : memref<10240x128xf32, #tpu.memory_space<hbm>> -> memref<10240x128xf32, #tpu.memory_space<hbm>>
      tpu.enqueue_indirect_dma source(%dma_start3A_16 : memref<10240x128xf32, #tpu.memory_space<hbm>>) target(%arg9 : memref<128x128xf32, #tpu.memory_space<vmem>>) offsets(%dma_start3A_13 : memref<128xi32, #tpu.memory_space<vmem>>) semaphore(%arg11 : memref<!tpu.dma_semaphore, #tpu.memory_space<semaphore_mem>>)
      %dma_wait3A = arith.constant 0 : i32
      %dma_wait3A_17 = tpu.memref_slice %arg7[%scan3A_11, %dma_wait3A] : memref<79x128xi32, #tpu.memory_space<vmem>> -> memref<1x128xi32, #tpu.memory_space<vmem>>
      %dma_wait3A_18 = tpu.memref_squeeze %dma_wait3A_17 : memref<1x128xi32, #tpu.memory_space<vmem>> -> memref<128xi32, #tpu.memory_space<vmem>>
      %dma_wait3A_19 = arith.constant 0 : i32
      %dma_wait3A_20 = arith.constant 0 : i32
      %dma_wait3A_21 = tpu.memref_slice %arg2[%dma_wait3A_19, %dma_wait3A_20] : memref<10240x128xf32, #tpu.memory_space<hbm>> -> memref<10240x128xf32, #tpu.memory_space<hbm>>
      tpu.wait_indirect_dma semaphore(%arg11 : memref<!tpu.dma_semaphore, #tpu.memory_space<semaphore_mem>>) src(%dma_wait3A_21 : memref<10240x128xf32, #tpu.memory_space<hbm>>) dst(%arg9 : memref<128x128xf32, #tpu.memory_space<vmem>>)
      "tpu.region"() ({
        %run_scoped3A = tpu.sem_alloc : memref<!tpu.dma_semaphore, #tpu.memory_space<semaphore_mem>>
        %dma_start3A_22 = arith.constant 0 : i32
        %dma_start3A_23 = tpu.memref_slice %arg8[%scan3A_11, %dma_start3A_22] : memref<79x128xi32, #tpu.memory_space<vmem>> -> memref<1x128xi32, #tpu.memory_space<vmem>>
        %dma_start3A_24 = tpu.memref_squeeze %dma_start3A_23 : memref<1x128xi32, #tpu.memory_space<vmem>> -> memref<128xi32, #tpu.memory_space<vmem>>
        %dma_start3A_25 = arith.constant 0 : i32
        %dma_start3A_26 = arith.constant 0 : i32
        %dma_start3A_27 = tpu.memref_slice %arg10[%dma_start3A_25, %dma_start3A_26] : memref<10240x128xf32, #tpu.memory_space<vmem_shared>> -> memref<10240x128xf32, #tpu.memory_space<vmem_shared>>
        tpu.enqueue_indirect_dma source(%arg9 : memref<128x128xf32, #tpu.memory_space<vmem>>) target(%dma_start3A_27 : memref<10240x128xf32, #tpu.memory_space<vmem_shared>>) offsets(%dma_start3A_24 : memref<128xi32, #tpu.memory_space<vmem>>) semaphore(%run_scoped3A : memref<!tpu.dma_semaphore, #tpu.memory_space<semaphore_mem>>) {add = true}
        %dma_wait3A_28 = arith.constant 0 : i32
        %dma_wait3A_29 = tpu.memref_slice %arg8[%scan3A_11, %dma_wait3A_28] : memref<79x128xi32, #tpu.memory_space<vmem>> -> memref<1x128xi32, #tpu.memory_space<vmem>>
        %dma_wait3A_30 = tpu.memref_squeeze %dma_wait3A_29 : memref<1x128xi32, #tpu.memory_space<vmem>> -> memref<128xi32, #tpu.memory_space<vmem>>
        %dma_wait3A_31 = arith.constant 0 : i32
        %dma_wait3A_32 = arith.constant 0 : i32
        %dma_wait3A_33 = tpu.memref_slice %arg10[%dma_wait3A_31, %dma_wait3A_32] : memref<10240x128xf32, #tpu.memory_space<vmem_shared>> -> memref<10240x128xf32, #tpu.memory_space<vmem_shared>>
        tpu.wait_indirect_dma semaphore(%run_scoped3A : memref<!tpu.dma_semaphore, #tpu.memory_space<semaphore_mem>>) src(%arg9 : memref<128x128xf32, #tpu.memory_space<vmem>>) dst(%dma_wait3A_33 : memref<10240x128xf32, #tpu.memory_space<vmem_shared>>)
        tpu.yield
      }) : () -> ()
    }
    %scan3A_7 = arith.constant 79 : i32
    %barrier3A_8 = arith.constant 0 : index
    tpu.barrier barrier_id(%barrier3A_8)
    %mul3A_9 = arith.constant 640 : i32
    %mul3A_10 = arith.muli %arg1, %mul3A_9 : i32
    "tpu.region"() ({
      %run_scoped3A = tpu.sem_alloc : memref<!tpu.dma_semaphore, #tpu.memory_space<semaphore_mem>>
      %dma_start3A = arith.constant 0 : i32
      %dma_start3A_11 = arith.constant 0 : i32
      %dma_start3A_12 = tpu.memref_slice %arg6[%arg0, %dma_start3A, %dma_start3A_11] : memref<2x10240x128xf32, #tpu.memory_space<hbm>> -> memref<1x10240x128xf32, #tpu.memory_space<hbm>>
      %dma_start3A_13 = tpu.memref_squeeze %dma_start3A_12 : memref<1x10240x128xf32, #tpu.memory_space<hbm>> -> memref<10240x128xf32, #tpu.memory_space<hbm>>
      %dma_start3A_14 = arith.constant 0 : i32
      %dma_start3A_15 = tpu.memref_slice %dma_start3A_13[%mul3A_10, %dma_start3A_14] : memref<10240x128xf32, #tpu.memory_space<hbm>> -> memref<640x128xf32, #tpu.memory_space<hbm>>
      %dma_start3A_16 = arith.constant 0 : i32
      %dma_start3A_17 = tpu.memref_slice %arg10[%mul3A_10, %dma_start3A_16] : memref<10240x128xf32, #tpu.memory_space<vmem_shared>> -> memref<640x128xf32, #tpu.memory_space<vmem_shared>>
      tpu.enqueue_dma source(%dma_start3A_17 : memref<640x128xf32, #tpu.memory_space<vmem_shared>>) target(%dma_start3A_15 : memref<640x128xf32, #tpu.memory_space<hbm>>) target_semaphore(%run_scoped3A : memref<!tpu.dma_semaphore, #tpu.memory_space<semaphore_mem>>)
      %dma_wait3A = arith.constant 0 : i32
      %dma_wait3A_18 = arith.constant 0 : i32
      %dma_wait3A_19 = tpu.memref_slice %arg6[%arg0, %dma_wait3A, %dma_wait3A_18] : memref<2x10240x128xf32, #tpu.memory_space<hbm>> -> memref<1x10240x128xf32, #tpu.memory_space<hbm>>
      %dma_wait3A_20 = tpu.memref_squeeze %dma_wait3A_19 : memref<1x10240x128xf32, #tpu.memory_space<hbm>> -> memref<10240x128xf32, #tpu.memory_space<hbm>>
      %dma_wait3A_21 = arith.constant 0 : i32
      %dma_wait3A_22 = tpu.memref_slice %dma_wait3A_20[%mul3A_10, %dma_wait3A_21] : memref<10240x128xf32, #tpu.memory_space<hbm>> -> memref<640x128xf32, #tpu.memory_space<hbm>>
      %dma_wait3A_23 = arith.constant 0 : i32
      %dma_wait3A_24 = tpu.memref_slice %arg10[%mul3A_10, %dma_wait3A_23] : memref<10240x128xf32, #tpu.memory_space<vmem_shared>> -> memref<640x128xf32, #tpu.memory_space<vmem_shared>>
      tpu.wait_dma2 semaphore(%run_scoped3A : memref<!tpu.dma_semaphore, #tpu.memory_space<semaphore_mem>>) src(%dma_wait3A_24 : memref<640x128xf32, #tpu.memory_space<vmem_shared>>) dst(%dma_wait3A_22 : memref<640x128xf32, #tpu.memory_space<hbm>>)
      tpu.yield
    }) : () -> ()
    return
  }
}

module attributes {stable_mosaic.version = 14 : i64} {
  func.func @_prep_body(%arg0: memref<2528x128xi32, #tpu.memory_space<vmem>>, %arg1: memref<2528x128xi32, #tpu.memory_space<vmem>>, %arg2: memref<2528x128xi32, #tpu.memory_space<vmem>>, %arg3: memref<2528x128xi32, #tpu.memory_space<vmem>>) attributes {dimension_semantics = [], scalar_prefetch = 0 : i64, scratch_operands = 0 : i64, tpu.core_type = #tpu.core_type<tc>} {
    %get3A = arith.constant 0 : index
    %get3A_0 = arith.constant 0 : index
    %get3A_1 = vector.load %arg0[%get3A, %get3A_0] : memref<2528x128xi32, #tpu.memory_space<vmem>>, vector<2528x128xi32>
    %get3A_2 = arith.constant 0 : index
    %get3A_3 = arith.constant 0 : index
    %get3A_4 = vector.load %arg1[%get3A_2, %get3A_3] : memref<2528x128xi32, #tpu.memory_space<vmem>>, vector<2528x128xi32>
    %ne3A = arith.cmpi ne, %get3A_1, %get3A_4 : vector<2528x128xi32>
    %jit3A = arith.constant 10000 : i32
    %broadcast_in_dim3A = vector.broadcast %jit3A : i32 to vector<2528x128xi32>
    %select_n3A = arith.select %ne3A, %get3A_1, %broadcast_in_dim3A : vector<2528x128xi1>, vector<2528x128xi32>
    %swap3A = arith.constant 0 : index
    %swap3A_5 = arith.constant 0 : index
    %swap3A_6 = vector.load %arg2[%swap3A, %swap3A_5] : memref<2528x128xi32, #tpu.memory_space<vmem>>, vector<2528x128xi32>
    tpu.vector_store %arg2[%swap3A, %swap3A_5], %select_n3A {strides = array<i32>} : memref<2528x128xi32, #tpu.memory_space<vmem>>, vector<2528x128xi32>,
    %jit3A_7 = arith.constant 10000 : i32
    %broadcast_in_dim3A_8 = vector.broadcast %jit3A_7 : i32 to vector<2528x128xi32>
    %select_n3A_9 = arith.select %ne3A, %get3A_4, %broadcast_in_dim3A_8 : vector<2528x128xi1>, vector<2528x128xi32>
    %swap3A_10 = arith.constant 0 : index
    %swap3A_11 = arith.constant 0 : index
    %swap3A_12 = vector.load %arg3[%swap3A_10, %swap3A_11] : memref<2528x128xi32, #tpu.memory_space<vmem>>, vector<2528x128xi32>
    tpu.vector_store %arg3[%swap3A_10, %swap3A_11], %select_n3A_9 {strides = array<i32>} : memref<2528x128xi32, #tpu.memory_space<vmem>>, vector<2528x128xi32>,
    return
  }
}

module attributes {stable_mosaic.version = 14 : i64} {
  func.func @_proj_body(%arg0: i32, %arg1: memref<128x128xf32, #tpu.memory_space<vmem>>, %arg2: memref<128x128xf32, #tpu.memory_space<vmem>>, %arg3: memref<1x128xf32, #tpu.memory_space<vmem>>, %arg4: memref<128x128xf32, #tpu.memory_space<vmem>>, %arg5: memref<1x128xf32, #tpu.memory_space<vmem>>, %arg6: memref<2x2x128x16xf32, #tpu.memory_space<vmem>>, %arg7: memref<128x128xf32, #tpu.memory_space<vmem>>) attributes {dimension_semantics = [#tpu.dimension_semantics<arbitrary>], iteration_bounds = array<i64: 80>, scalar_prefetch = 0 : i64, scratch_operands = 0 : i64, tpu.core_type = #tpu.core_type<tc>, window_params = [{transform_indices = @transform_0, window_bounds = array<i64: 128, 128>}, {pipeline_mode = #tpu.pipeline_mode<synchronous>, transform_indices = @transform_1, window_bounds = array<i64: 128, 128>}, {pipeline_mode = #tpu.pipeline_mode<synchronous>, transform_indices = @transform_2, window_bounds = array<i64: 1, 128>}, {pipeline_mode = #tpu.pipeline_mode<synchronous>, transform_indices = @transform_3, window_bounds = array<i64: 128, 128>}, {pipeline_mode = #tpu.pipeline_mode<synchronous>, transform_indices = @transform_4, window_bounds = array<i64: 1, 128>}, {transform_indices = @transform_5, window_bounds = array<i64: 2, 2, 128, 16>}, {transform_indices = @transform_6, window_bounds = array<i64: 128, 128>}]} {
    %get3A = arith.constant 0 : index
    %get3A_0 = arith.constant 0 : index
    %get3A_1 = vector.load %arg1[%get3A, %get3A_0] : memref<128x128xf32, #tpu.memory_space<vmem>>, vector<128x128xf32>
    %get3A_2 = arith.constant 0 : index
    %get3A_3 = arith.constant 0 : index
    %get3A_4 = vector.load %arg2[%get3A_2, %get3A_3] : memref<128x128xf32, #tpu.memory_space<vmem>>, vector<128x128xf32>
    %dot_general3A = arith.constant dense<0.000000e+00> : vector<128x128xf32>
    %dot_general3A_5 = tpu.matmul %get3A_1, %get3A_4, %dot_general3A {dimension_numbers = #tpu.dot_dimension_numbers<[1], [0], [0], [1], [0, 0, 1, 1], [], []>, transpose_lhs_hint = false} : vector<128x128xf32>, vector<128x128xf32>, vector<128x128xf32> -> vector<128x128xf32>
    %get3A_6 = arith.constant 0 : index
    %get3A_7 = arith.constant 0 : index
    %get3A_8 = vector.load %arg3[%get3A_6, %get3A_7] : memref<1x128xf32, #tpu.memory_space<vmem>>, vector<1x128xf32>
    %add3A = vector.broadcast %get3A_8 : vector<1x128xf32> to vector<128x128xf32>
    %add3A_9 = arith.addf %dot_general3A_5, %add3A : vector<128x128xf32>
    %get3A_10 = arith.constant 0 : index
    %get3A_11 = arith.constant 0 : index
    %get3A_12 = vector.load %arg4[%get3A_10, %get3A_11] : memref<128x128xf32, #tpu.memory_space<vmem>>, vector<128x128xf32>
    %dot_general3A_13 = arith.constant dense<0.000000e+00> : vector<128x128xf32>
    %dot_general3A_14 = tpu.matmul %get3A_1, %get3A_12, %dot_general3A_13 {dimension_numbers = #tpu.dot_dimension_numbers<[1], [0], [0], [1], [0, 0, 1, 1], [], []>, transpose_lhs_hint = false} : vector<128x128xf32>, vector<128x128xf32>, vector<128x128xf32> -> vector<128x128xf32>
    %get3A_15 = arith.constant 0 : index
    %get3A_16 = arith.constant 0 : index
    %get3A_17 = vector.load %arg5[%get3A_15, %get3A_16] : memref<1x128xf32, #tpu.memory_space<vmem>>, vector<1x128xf32>
    %add3A_18 = vector.broadcast %get3A_17 : vector<1x128xf32> to vector<128x128xf32>
    %add3A_19 = arith.addf %dot_general3A_14, %add3A_18 : vector<128x128xf32>
    %mul3A = arith.constant 128 : i32
    %mul3A_20 = arith.muli %arg0, %mul3A : i32
    %iota3A = tpu.iota {dimensions = array<i32: 0>} : vector<128x1xi32>
    %add3A_21 = vector.broadcast %mul3A_20 : i32 to vector<128x1xi32>
    %add3A_22 = arith.addi %add3A_21, %iota3A : vector<128x1xi32>
    %lt3A = arith.constant 5000 : i32
    %lt3A_23 = vector.broadcast %lt3A : i32 to vector<128x1xi32>
    %lt3A_24 = arith.cmpi slt, %add3A_22, %lt3A_23 : vector<128x1xi32>
    %broadcast_in_dim3A = vector.shape_cast %lt3A_24 : vector<128x1xi1> to vector<128x1xi1>
    %broadcast_in_dim3A_25 = vector.broadcast %broadcast_in_dim3A : vector<128x1xi1> to vector<128x128xi1>
    %select_n3A = arith.select %broadcast_in_dim3A_25, %add3A_9, %add3A_19 : vector<128x128xi1>, vector<128x128xf32>
    %get3A_26 = arith.constant 0 : index
    %get3A_27 = arith.constant 0 : index
    %get3A_28 = arith.constant 0 : index
    %get3A_29 = arith.constant 0 : index
    %get3A_30 = vector.load %arg6[%get3A_26, %get3A_27, %get3A_28, %get3A_29] : memref<2x2x128x16xf32, #tpu.memory_space<vmem>>, vector<1x1x128x16xf32>
    %get3A_31 = vector.shape_cast %get3A_30 : vector<1x1x128x16xf32> to vector<128x16xf32>
    %slice3A = vector.extract_strided_slice %get3A_31 {offsets = [0, 0], sizes = [128, 1], strides = [1, 1]} : vector<128x16xf32> to vector<128x1xf32>
    %get3A_32 = arith.constant 1 : index
    %get3A_33 = arith.constant 0 : index
    %get3A_34 = arith.constant 0 : index
    %get3A_35 = arith.constant 0 : index
    %get3A_36 = vector.load %arg6[%get3A_32, %get3A_33, %get3A_34, %get3A_35] : memref<2x2x128x16xf32, #tpu.memory_space<vmem>>, vector<1x1x128x16xf32>
    %get3A_37 = vector.shape_cast %get3A_36 : vector<1x1x128x16xf32> to vector<128x16xf32>
    %slice3A_38 = vector.extract_strided_slice %get3A_37 {offsets = [0, 0], sizes = [128, 1], strides = [1, 1]} : vector<128x16xf32> to vector<128x1xf32>
    %add3A_39 = arith.addf %slice3A, %slice3A_38 : vector<128x1xf32>
    %add3A_40 = arith.constant 1.000000e+00 : f32
    %add3A_41 = vector.broadcast %add3A_40 : f32 to vector<128x1xf32>
    %add3A_42 = arith.addf %add3A_39, %add3A_41 : vector<128x1xf32>
    %rsqrt3A = math.rsqrt %add3A_42 : vector<128x1xf32>
    %mul3A_43 = vector.broadcast %rsqrt3A : vector<128x1xf32> to vector<128x128xf32>
    %mul3A_44 = arith.mulf %select_n3A, %mul3A_43 : vector<128x128xf32>
    %swap3A = arith.constant 0 : index
    %swap3A_45 = arith.constant 0 : index
    %swap3A_46 = vector.load %arg7[%swap3A, %swap3A_45] : memref<128x128xf32, #tpu.memory_space<vmem>>, vector<128x128xf32>
    tpu.vector_store %arg7[%swap3A, %swap3A_45], %mul3A_44 {strides = array<i32>} : memref<128x128xf32, #tpu.memory_space<vmem>>, vector<128x128xf32>,
    return
  }
  func.func @transform_0(%arg0: i32) -> (i32, i32) {
    %c0_i32 = arith.constant 0 : i32
    %c0_i32_0 = arith.constant 0 : i32
    return %arg0, %c0_i32 : i32, i32
  }
  func.func @transform_1(%arg0: i32) -> (i32, i32) {
    %c0_i32 = arith.constant 0 : i32
    %c0_i32_0 = arith.constant 0 : i32
    %c0_i32_1 = arith.constant 0 : i32
    return %c0_i32, %c0_i32_0 : i32, i32
  }
  func.func @transform_2(%arg0: i32) -> (i32, i32) {
    %c0_i32 = arith.constant 0 : i32
    %c0_i32_0 = arith.constant 0 : i32
    %c0_i32_1 = arith.constant 0 : i32
    return %c0_i32, %c0_i32_0 : i32, i32
  }
  func.func @transform_3(%arg0: i32) -> (i32, i32) {
    %c0_i32 = arith.constant 0 : i32
    %c0_i32_0 = arith.constant 0 : i32
    %c0_i32_1 = arith.constant 0 : i32
    return %c0_i32, %c0_i32_0 : i32, i32
  }
  func.func @transform_4(%arg0: i32) -> (i32, i32) {
    %c0_i32 = arith.constant 0 : i32
    %c0_i32_0 = arith.constant 0 : i32
    %c0_i32_1 = arith.constant 0 : i32
    return %c0_i32, %c0_i32_0 : i32, i32
  }
  func.func @transform_5(%arg0: i32) -> (i32, i32, i32, i32) {
    %c0_i32 = arith.constant 0 : i32
    %c0_i32_0 = arith.constant 0 : i32
    %c0_i32_1 = arith.constant 0 : i32
    %c0_i32_2 = arith.constant 0 : i32
    return %c0_i32, %c0_i32_0, %arg0, %c0_i32_1 : i32, i32, i32, i32
  }
  func.func @transform_6(%arg0: i32) -> (i32, i32) {
    %c0_i32 = arith.constant 0 : i32
    %c0_i32_0 = arith.constant 0 : i32
    return %arg0, %c0_i32 : i32, i32
  }
}

module attributes {stable_mosaic.version = 14 : i64} {
  func.func @_mid_body(%arg0: i32, %arg1: memref<2x128x128xf32, #tpu.memory_space<vmem>>, %arg2: memref<128x128xf32, #tpu.memory_space<vmem>>, %arg3: memref<2x2x128x16xf32, #tpu.memory_space<vmem>>, %arg4: memref<1x128xf32, #tpu.memory_space<vmem>>, %arg5: memref<128x128xf32, #tpu.memory_space<vmem>>) attributes {dimension_semantics = [#tpu.dimension_semantics<arbitrary>], iteration_bounds = array<i64: 80>, scalar_prefetch = 0 : i64, scratch_operands = 0 : i64, tpu.core_type = #tpu.core_type<tc>, window_params = [{transform_indices = @transform_0, window_bounds = array<i64: 2, 128, 128>}, {transform_indices = @transform_1, window_bounds = array<i64: 128, 128>}, {transform_indices = @transform_2, window_bounds = array<i64: 2, 2, 128, 16>}, {pipeline_mode = #tpu.pipeline_mode<synchronous>, transform_indices = @transform_3, window_bounds = array<i64: 1, 128>}, {transform_indices = @transform_4, window_bounds = array<i64: 128, 128>}]} {
    %get3A = arith.constant 0 : index
    %get3A_0 = arith.constant 0 : index
    %get3A_1 = arith.constant 0 : index
    %get3A_2 = vector.load %arg1[%get3A, %get3A_0, %get3A_1] : memref<2x128x128xf32, #tpu.memory_space<vmem>>, vector<1x128x128xf32>
    %get3A_3 = vector.shape_cast %get3A_2 : vector<1x128x128xf32> to vector<128x128xf32>
    %get3A_4 = arith.constant 1 : index
    %get3A_5 = arith.constant 0 : index
    %get3A_6 = arith.constant 0 : index
    %get3A_7 = vector.load %arg1[%get3A_4, %get3A_5, %get3A_6] : memref<2x128x128xf32, #tpu.memory_space<vmem>>, vector<1x128x128xf32>
    %get3A_8 = vector.shape_cast %get3A_7 : vector<1x128x128xf32> to vector<128x128xf32>
    %add3A = arith.addf %get3A_3, %get3A_8 : vector<128x128xf32>
    %get3A_9 = arith.constant 0 : index
    %get3A_10 = arith.constant 0 : index
    %get3A_11 = vector.load %arg2[%get3A_9, %get3A_10] : memref<128x128xf32, #tpu.memory_space<vmem>>, vector<128x128xf32>
    %add3A_12 = arith.addf %add3A, %get3A_11 : vector<128x128xf32>
    %get3A_13 = arith.constant 0 : index
    %get3A_14 = arith.constant 0 : index
    %get3A_15 = arith.constant 0 : index
    %get3A_16 = arith.constant 0 : index
    %get3A_17 = vector.load %arg3[%get3A_13, %get3A_14, %get3A_15, %get3A_16] : memref<2x2x128x16xf32, #tpu.memory_space<vmem>>, vector<1x1x128x16xf32>
    %get3A_18 = vector.shape_cast %get3A_17 : vector<1x1x128x16xf32> to vector<128x16xf32>
    %slice3A = vector.extract_strided_slice %get3A_18 {offsets = [0, 0], sizes = [128, 1], strides = [1, 1]} : vector<128x16xf32> to vector<128x1xf32>
    %get3A_19 = arith.constant 1 : index
    %get3A_20 = arith.constant 0 : index
    %get3A_21 = arith.constant 0 : index
    %get3A_22 = arith.constant 0 : index
    %get3A_23 = vector.load %arg3[%get3A_19, %get3A_20, %get3A_21, %get3A_22] : memref<2x2x128x16xf32, #tpu.memory_space<vmem>>, vector<1x1x128x16xf32>
    %get3A_24 = vector.shape_cast %get3A_23 : vector<1x1x128x16xf32> to vector<128x16xf32>
    %slice3A_25 = vector.extract_strided_slice %get3A_24 {offsets = [0, 0], sizes = [128, 1], strides = [1, 1]} : vector<128x16xf32> to vector<128x1xf32>
    %add3A_26 = arith.addf %slice3A, %slice3A_25 : vector<128x1xf32>
    %add3A_27 = arith.constant 1.000000e+00 : f32
    %add3A_28 = vector.broadcast %add3A_27 : f32 to vector<128x1xf32>
    %add3A_29 = arith.addf %add3A_26, %add3A_28 : vector<128x1xf32>
    %get3A_30 = arith.constant 0 : index
    %get3A_31 = arith.constant 1 : index
    %get3A_32 = arith.constant 0 : index
    %get3A_33 = arith.constant 0 : index
    %get3A_34 = vector.load %arg3[%get3A_30, %get3A_31, %get3A_32, %get3A_33] : memref<2x2x128x16xf32, #tpu.memory_space<vmem>>, vector<1x1x128x16xf32>
    %get3A_35 = vector.shape_cast %get3A_34 : vector<1x1x128x16xf32> to vector<128x16xf32>
    %slice3A_36 = vector.extract_strided_slice %get3A_35 {offsets = [0, 0], sizes = [128, 1], strides = [1, 1]} : vector<128x16xf32> to vector<128x1xf32>
    %get3A_37 = arith.constant 1 : index
    %get3A_38 = arith.constant 1 : index
    %get3A_39 = arith.constant 0 : index
    %get3A_40 = arith.constant 0 : index
    %get3A_41 = vector.load %arg3[%get3A_37, %get3A_38, %get3A_39, %get3A_40] : memref<2x2x128x16xf32, #tpu.memory_space<vmem>>, vector<1x1x128x16xf32>
    %get3A_42 = vector.shape_cast %get3A_41 : vector<1x1x128x16xf32> to vector<128x16xf32>
    %slice3A_43 = vector.extract_strided_slice %get3A_42 {offsets = [0, 0], sizes = [128, 1], strides = [1, 1]} : vector<128x16xf32> to vector<128x1xf32>
    %add3A_44 = arith.addf %slice3A_36, %slice3A_43 : vector<128x1xf32>
    %add3A_45 = arith.constant 1.000000e+00 : f32
    %add3A_46 = vector.broadcast %add3A_45 : f32 to vector<128x1xf32>
    %add3A_47 = arith.addf %add3A_44, %add3A_46 : vector<128x1xf32>
    %rsqrt3A = math.rsqrt %add3A_29 : vector<128x1xf32>
    %rsqrt3A_48 = math.rsqrt %add3A_47 : vector<128x1xf32>
    %mul3A = vector.broadcast %rsqrt3A_48 : vector<128x1xf32> to vector<128x128xf32>
    %mul3A_49 = arith.mulf %add3A_12, %mul3A : vector<128x128xf32>
    %get3A_50 = arith.constant 0 : index
    %get3A_51 = arith.constant 0 : index
    %get3A_52 = vector.load %arg4[%get3A_50, %get3A_51] : memref<1x128xf32, #tpu.memory_space<vmem>>, vector<1x128xf32>
    %add3A_53 = vector.broadcast %get3A_52 : vector<1x128xf32> to vector<128x128xf32>
    %add3A_54 = arith.addf %mul3A_49, %add3A_53 : vector<128x128xf32>
    %max3A = arith.constant 0.000000e+00 : f32
    %max3A_55 = vector.broadcast %max3A : f32 to vector<128x128xf32>
    %max3A_56 = arith.maximumf %add3A_54, %max3A_55 : vector<128x128xf32>
    %mul3A_57 = vector.broadcast %rsqrt3A : vector<128x1xf32> to vector<128x128xf32>
    %mul3A_58 = arith.mulf %max3A_56, %mul3A_57 : vector<128x128xf32>
    %swap3A = arith.constant 0 : index
    %swap3A_59 = arith.constant 0 : index
    %swap3A_60 = vector.load %arg5[%swap3A, %swap3A_59] : memref<128x128xf32, #tpu.memory_space<vmem>>, vector<128x128xf32>
    tpu.vector_store %arg5[%swap3A, %swap3A_59], %mul3A_58 {strides = array<i32>} : memref<128x128xf32, #tpu.memory_space<vmem>>, vector<128x128xf32>,
    return
  }
  func.func @transform_0(%arg0: i32) -> (i32, i32, i32) {
    %c0_i32 = arith.constant 0 : i32
    %c0_i32_0 = arith.constant 0 : i32
    %c0_i32_1 = arith.constant 0 : i32
    return %c0_i32, %arg0, %c0_i32_0 : i32, i32, i32
  }
  func.func @transform_1(%arg0: i32) -> (i32, i32) {
    %c0_i32 = arith.constant 0 : i32
    %c0_i32_0 = arith.constant 0 : i32
    return %arg0, %c0_i32 : i32, i32
  }
  func.func @transform_2(%arg0: i32) -> (i32, i32, i32, i32) {
    %c0_i32 = arith.constant 0 : i32
    %c0_i32_0 = arith.constant 0 : i32
    %c0_i32_1 = arith.constant 0 : i32
    %c0_i32_2 = arith.constant 0 : i32
    return %c0_i32, %c0_i32_0, %arg0, %c0_i32_1 : i32, i32, i32, i32
  }
  func.func @transform_3(%arg0: i32) -> (i32, i32) {
    %c0_i32 = arith.constant 0 : i32
    %c0_i32_0 = arith.constant 0 : i32
    %c0_i32_1 = arith.constant 0 : i32
    return %c0_i32, %c0_i32_0 : i32, i32
  }
  func.func @transform_4(%arg0: i32) -> (i32, i32) {
    %c0_i32 = arith.constant 0 : i32
    %c0_i32_0 = arith.constant 0 : i32
    return %arg0, %c0_i32 : i32, i32
  }
}

module attributes {stable_mosaic.version = 14 : i64} {
  func.func @_fin_body(%arg0: i32, %arg1: memref<2x128x128xf32, #tpu.memory_space<vmem>>, %arg2: memref<128x128xf32, #tpu.memory_space<vmem>>, %arg3: memref<2x2x128x16xf32, #tpu.memory_space<vmem>>, %arg4: memref<128x128xf32, #tpu.memory_space<vmem>>, %arg5: memref<1x128xf32, #tpu.memory_space<vmem>>, %arg6: memref<128x128xf32, #tpu.memory_space<vmem>>) attributes {dimension_semantics = [#tpu.dimension_semantics<arbitrary>], iteration_bounds = array<i64: 80>, scalar_prefetch = 0 : i64, scratch_operands = 0 : i64, tpu.core_type = #tpu.core_type<tc>, window_params = [{transform_indices = @transform_0, window_bounds = array<i64: 2, 128, 128>}, {transform_indices = @transform_1, window_bounds = array<i64: 128, 128>}, {transform_indices = @transform_2, window_bounds = array<i64: 2, 2, 128, 16>}, {pipeline_mode = #tpu.pipeline_mode<synchronous>, transform_indices = @transform_3, window_bounds = array<i64: 128, 128>}, {pipeline_mode = #tpu.pipeline_mode<synchronous>, transform_indices = @transform_4, window_bounds = array<i64: 1, 128>}, {transform_indices = @transform_5, window_bounds = array<i64: 128, 128>}]} {
    %get3A = arith.constant 0 : index
    %get3A_0 = arith.constant 0 : index
    %get3A_1 = arith.constant 0 : index
    %get3A_2 = vector.load %arg1[%get3A, %get3A_0, %get3A_1] : memref<2x128x128xf32, #tpu.memory_space<vmem>>, vector<1x128x128xf32>
    %get3A_3 = vector.shape_cast %get3A_2 : vector<1x128x128xf32> to vector<128x128xf32>
    %get3A_4 = arith.constant 1 : index
    %get3A_5 = arith.constant 0 : index
    %get3A_6 = arith.constant 0 : index
    %get3A_7 = vector.load %arg1[%get3A_4, %get3A_5, %get3A_6] : memref<2x128x128xf32, #tpu.memory_space<vmem>>, vector<1x128x128xf32>
    %get3A_8 = vector.shape_cast %get3A_7 : vector<1x128x128xf32> to vector<128x128xf32>
    %add3A = arith.addf %get3A_3, %get3A_8 : vector<128x128xf32>
    %get3A_9 = arith.constant 0 : index
    %get3A_10 = arith.constant 0 : index
    %get3A_11 = vector.load %arg2[%get3A_9, %get3A_10] : memref<128x128xf32, #tpu.memory_space<vmem>>, vector<128x128xf32>
    %add3A_12 = arith.addf %add3A, %get3A_11 : vector<128x128xf32>
    %get3A_13 = arith.constant 0 : index
    %get3A_14 = arith.constant 1 : index
    %get3A_15 = arith.constant 0 : index
    %get3A_16 = arith.constant 0 : index
    %get3A_17 = vector.load %arg3[%get3A_13, %get3A_14, %get3A_15, %get3A_16] : memref<2x2x128x16xf32, #tpu.memory_space<vmem>>, vector<1x1x128x16xf32>
    %get3A_18 = vector.shape_cast %get3A_17 : vector<1x1x128x16xf32> to vector<128x16xf32>
    %slice3A = vector.extract_strided_slice %get3A_18 {offsets = [0, 0], sizes = [128, 1], strides = [1, 1]} : vector<128x16xf32> to vector<128x1xf32>
    %get3A_19 = arith.constant 1 : index
    %get3A_20 = arith.constant 1 : index
    %get3A_21 = arith.constant 0 : index
    %get3A_22 = arith.constant 0 : index
    %get3A_23 = vector.load %arg3[%get3A_19, %get3A_20, %get3A_21, %get3A_22] : memref<2x2x128x16xf32, #tpu.memory_space<vmem>>, vector<1x1x128x16xf32>
    %get3A_24 = vector.shape_cast %get3A_23 : vector<1x1x128x16xf32> to vector<128x16xf32>
    %slice3A_25 = vector.extract_strided_slice %get3A_24 {offsets = [0, 0], sizes = [128, 1], strides = [1, 1]} : vector<128x16xf32> to vector<128x1xf32>
    %add3A_26 = arith.addf %slice3A, %slice3A_25 : vector<128x1xf32>
    %add3A_27 = arith.constant 1.000000e+00 : f32
    %add3A_28 = vector.broadcast %add3A_27 : f32 to vector<128x1xf32>
    %add3A_29 = arith.addf %add3A_26, %add3A_28 : vector<128x1xf32>
    %rsqrt3A = math.rsqrt %add3A_29 : vector<128x1xf32>
    %mul3A = vector.broadcast %rsqrt3A : vector<128x1xf32> to vector<128x128xf32>
    %mul3A_30 = arith.mulf %add3A_12, %mul3A : vector<128x128xf32>
    %get3A_31 = arith.constant 0 : index
    %get3A_32 = arith.constant 0 : index
    %get3A_33 = vector.load %arg4[%get3A_31, %get3A_32] : memref<128x128xf32, #tpu.memory_space<vmem>>, vector<128x128xf32>
    %dot_general3A = arith.constant dense<0.000000e+00> : vector<128x128xf32>
    %dot_general3A_34 = tpu.matmul %mul3A_30, %get3A_33, %dot_general3A {dimension_numbers = #tpu.dot_dimension_numbers<[1], [0], [0], [1], [0, 0, 1, 1], [], []>, transpose_lhs_hint = false} : vector<128x128xf32>, vector<128x128xf32>, vector<128x128xf32> -> vector<128x128xf32>
    %get3A_35 = arith.constant 0 : index
    %get3A_36 = arith.constant 0 : index
    %get3A_37 = vector.load %arg5[%get3A_35, %get3A_36] : memref<1x128xf32, #tpu.memory_space<vmem>>, vector<1x128xf32>
    %add3A_38 = vector.broadcast %get3A_37 : vector<1x128xf32> to vector<128x128xf32>
    %add3A_39 = arith.addf %dot_general3A_34, %add3A_38 : vector<128x128xf32>
    %max3A = arith.constant 0.000000e+00 : f32
    %max3A_40 = vector.broadcast %max3A : f32 to vector<128x128xf32>
    %max3A_41 = arith.maximumf %add3A_39, %max3A_40 : vector<128x128xf32>
    %swap3A = arith.constant 0 : index
    %swap3A_42 = arith.constant 0 : index
    %swap3A_43 = vector.load %arg6[%swap3A, %swap3A_42] : memref<128x128xf32, #tpu.memory_space<vmem>>, vector<128x128xf32>
    tpu.vector_store %arg6[%swap3A, %swap3A_42], %max3A_41 {strides = array<i32>} : memref<128x128xf32, #tpu.memory_space<vmem>>, vector<128x128xf32>,
    return
  }
  func.func @transform_0(%arg0: i32) -> (i32, i32, i32) {
    %c0_i32 = arith.constant 0 : i32
    %c0_i32_0 = arith.constant 0 : i32
    %c0_i32_1 = arith.constant 0 : i32
    return %c0_i32, %arg0, %c0_i32_0 : i32, i32, i32
  }
  func.func @transform_1(%arg0: i32) -> (i32, i32) {
    %c0_i32 = arith.constant 0 : i32
    %c0_i32_0 = arith.constant 0 : i32
    return %arg0, %c0_i32 : i32, i32
  }
  func.func @transform_2(%arg0: i32) -> (i32, i32, i32, i32) {
    %c0_i32 = arith.constant 0 : i32
    %c0_i32_0 = arith.constant 0 : i32
    %c0_i32_1 = arith.constant 0 : i32
    %c0_i32_2 = arith.constant 0 : i32
    return %c0_i32, %c0_i32_0, %arg0, %c0_i32_1 : i32, i32, i32, i32
  }
  func.func @transform_3(%arg0: i32) -> (i32, i32) {
    %c0_i32 = arith.constant 0 : i32
    %c0_i32_0 = arith.constant 0 : i32
    %c0_i32_1 = arith.constant 0 : i32
    return %c0_i32, %c0_i32_0 : i32, i32
  }
  func.func @transform_4(%arg0: i32) -> (i32, i32) {
    %c0_i32 = arith.constant 0 : i32
    %c0_i32_0 = arith.constant 0 : i32
    %c0_i32_1 = arith.constant 0 : i32
    return %c0_i32, %c0_i32_0 : i32, i32
  }
  func.func @transform_5(%arg0: i32) -> (i32, i32) {
    %c0_i32 = arith.constant 0 : i32
    %c0_i32_0 = arith.constant 0 : i32
    return %arg0, %c0_i32 : i32, i32
  }
}

</mosaic_0001>

<sc_bundles>
// kernel: kernel.12.cloned.1.call-start
scs
__scs_entry_jumppad:
0x0: {  	(pc) =	sbr.rel $0x88, $3  }
0x1: {  	(tag) =	ssettag $0x0;
	lr =	simm.s32 $0x1  }
0x2: {  	[smem:$0x3F97] =	sst lr;
	_ =	strace $0xD0000000  }
0x3: {  	_ = 	snop  }
0x4: {  	_ = 	snop  }
0x5: {  	_ = 	snop  }
0x6: {  	_ = 	snop  }
0x7: {  	_ = 	snop  }
__scs_overlays_trampoline_lowered:
0x8: {  	[smem:$0x3FA6] =	sst s0  }
0x9: {  	[smem:$0x3FA7] =	sst s1  }
0xa: {  	[smem:$0x3FA8] =	sst s2  }
0xb: {  	[smem:$0x3FA9] =	sst s3  }
0xc: {  	[smem:$0x3FAA] =	sst s4  }
0xd: {  	[smem:$0x3FAB] =	sst s5  }
0xe: {  	[smem:$0x3FAC] =	sst s6  }
0xf: {  	[smem:$0x3FAD] =	sst s7  }
0x10: {  	[smem:$0x3FAE] =	sst s8  }
0x11: {  	[smem:$0x3FAF] =	sst s9;
	s0 =	simm.s32 @!p0 $0x0  }
0x12: {  	s1 =	sld [smem:$0x3F95];
	s0 =	simm.s32 @p0 $0x1  }
0x13: {  	[smem:$0x3FB0] =	sst s0;
	s0 =	simm.s32 @!p1 $0x0  }
0x14: {  	s2 =	sld [smem:$0x3F94];
	s0 =	simm.s32 @p1 $0x1  }
0x15: {  	[smem:$0x3FB1] =	sst s0;
	s0 =	simm.s32 @!p2 $0x0  }
0x16: {  	s3 =	sld [smem:$0x3FDB];
	s0 =	simm.s32 @p2 $0x1  }
0x17: {  	s4 =	simm.s32 $0x1BF5;
	[smem:$0x3FB3] =	sst s0  }
0x18: {  	s0 =	sld [smem:$0x3F96];
	_ =	swait.ge [sflag:s4], $0x0  }
0x19: {  	s7 =	sld [smem:$0x3F97]  }
0x1a: {  	s8 =	sadd.s32 $0xFFFFE003, lr  }
0x1b: {  	s9 =	sadd.s32 $0xFFFFFEF7, lr;
	s5 =	simm.s32 $0xFFFFFFFF;
	p2 =	slt.u32 s8, $0xFFFFF086  }
0x1c: {  	p1 =	slt.u32 s9, $0xF7A;
	s5 =	simm.s32 @!p2 $0x0  }
0x1d: {  	s5 =	simm.s32 @p1 $0x1;
	p0 =	seq.s32 s7, s2  }
0x1e: {  	s7 =	smul.u32 @!p0 $0xF7A, s2;
	p2 =	seq.s32 @!p0 s5, $0x0  }
0x1f: {  	s9 =	smul.u32 $0xF7A, s1;
	s8 =	simm.s32 @!p0 $0x1BF5;
	p2 =	por !p2, p0  }
0x20: {  	[sflag:s8] =	ssyncset.s32 @!p0 $0xFFFFF086;
	s6 =	sadd.s32 @!p0 s3, s7;
	s7 =	simm.s32 @!p0 $0x108  }
0x21: {  	s3 =	sadd.s32 s3, s9;
	s6 =	sadd.s32 @!p0 $0x88, s6;
	s7 =	simm.s32 @p2 $0x1082  }
0x22: {  	[simem:s7], [sflag:s8] =	dma.local @!p0 [hbm:s6], $0xF7A  }
0x23: {  	s9 =	sor.u32 $0xD0000000, s2;
	s6 =	simm.s32 $0x108;
	_ =	swait.ge @!p0 [sflag:s8], $0x0  }
0x24: {  	s3 =	sadd.s32 $0x88, s3;
	s6 =	simm.s32 @!p1 $0x1082;
	[sflag:s4] =	ssyncset.s32 $0xFFFFF086  }
0x25: {  	[simem:s6], [sflag:s4] =	dma.local [hbm:s3], $0xF7A  }
0x26: {  	[smem:$0x3F97] =	sst s1;
	(tag) =	ssettag s2;
	_ =	strace s9  }
0x27: {  	s1 =	sld [smem:$0x3FA7]  }
0x28: {  	s2 =	sld [smem:$0x3FA8]  }
0x29: {  	s4 =	sld [smem:$0x3FAA]  }
0x2a: {  	p0 =	seq.s32 s5, $0x0;
	s5 =	sld [smem:$0x3FAB]  }
0x2b: {  	s6 =	sld [smem:$0x3FAC]  }
0x2c: {  	s7 =	sld [smem:$0x3FAD]  }
0x2d: {  	s3 =	simm.s32 $0x108;
	s8 =	sld [smem:$0x3FAE]  }
0x2e: {  	s3 =	simm.s32 @!p0 $0x1082;
	s9 =	sld [smem:$0x3FAF]  }
0x2f: {  	lr =	sadd.s32 s0, s3;
	s0 =	sld [smem:$0x3FA6]  }
0x30: {  	s3 =	sld [smem:$0x3FA9]  }
0x31: {  	[smem:$0x3FB2] =	sst s10  }
0x32: {  	s10 =	sld [smem:$0x3FB0];
	_ =	sdelay $0x3  }
0x33: {  	p0 =	seq.s32 s10, $0x1;
	s10 =	sld [smem:$0x3FB2];
	_ =	sdelay $0x3  }
0x34: {  	[smem:$0x3FB2] =	sst s10  }
0x35: {  	s10 =	sld [smem:$0x3FB1];
	_ =	sdelay $0x3  }
0x36: {  	p1 =	seq.s32 s10, $0x1;
	s10 =	sld [smem:$0x3FB2];
	_ =	sdelay $0x3  }
0x37: {  	[smem:$0x3FB2] =	sst s10  }
0x38: {  	s10 =	sld [smem:$0x3FB3]  }
0x39: {  	_ = 	snop;
	(pc) =	sbr.ind lr, $3  }
0x3a: {  	_ = 	snop  }
0x3b: {  	_ = 	snop  }
0x3c: {  	p2 =	seq.s32 s10, $0x1;
	s10 =	sld [smem:$0x3FB2]  }
0x3d: {  	_ =	shalt  }
0x3e: {  	_ =	shalt  }
0x3f: {  	_ =	shalt  }
0x40: {  	_ =	shalt  }
0x41: {  	_ =	shalt  }
0x42: {  	_ =	shalt  }
0x43: {  	_ =	shalt  }
0x44: {  	_ =	shalt  }
0x45: {  	_ =	shalt  }
0x46: {  	_ =	shalt  }
0x47: {  	_ =	shalt  }
0x48: {  	_ =	shalt  }
0x49: {  	_ =	shalt  }
0x4a: {  	_ =	shalt  }
0x4b: {  	_ =	shalt  }
0x4c: {  	_ =	shalt  }
0x4d: {  	_ =	shalt  }
0x4e: {  	_ =	shalt  }
0x4f: {  	_ =	shalt  }
0x50: {  	_ =	shalt  }
0x51: {  	_ =	shalt  }
0x52: {  	_ =	shalt  }
0x53: {  	_ =	shalt  }
0x54: {  	_ =	shalt  }
0x55: {  	_ =	shalt  }
0x56: {  	_ =	shalt  }
0x57: {  	_ =	shalt  }
0x58: {  	_ =	shalt  }
0x59: {  	_ =	shalt  }
0x5a: {  	_ =	shalt  }
0x5b: {  	_ =	shalt  }
0x5c: {  	_ =	shalt  }
0x5d: {  	_ =	shalt  }
0x5e: {  	_ =	shalt  }
0x5f: {  	_ =	shalt  }
0x60: {  	_ =	shalt  }
0x61: {  	_ =	shalt  }
0x62: {  	_ =	shalt  }
0x63: {  	_ =	shalt  }
0x64: {  	_ =	shalt  }
0x65: {  	_ =	shalt  }
0x66: {  	_ =	shalt  }
0x67: {  	_ =	shalt  }
0x68: {  	_ =	shalt  }
0x69: {  	_ =	shalt  }
0x6a: {  	_ =	shalt  }
0x6b: {  	_ =	shalt  }
0x6c: {  	_ =	shalt  }
0x6d: {  	_ =	shalt  }
0x6e: {  	_ =	shalt  }
0x6f: {  	_ =	shalt  }
0x70: {  	_ =	shalt  }
0x71: {  	_ =	shalt  }
0x72: {  	_ =	shalt  }
0x73: {  	_ =	shalt  }
0x74: {  	_ =	shalt  }
0x75: {  	_ =	shalt  }
0x76: {  	_ =	shalt  }
0x77: {  	_ =	shalt  }
0x78: {  	_ =	shalt  }
0x79: {  	_ =	shalt  }
0x7a: {  	_ =	shalt  }
0x7b: {  	_ =	shalt  }
0x7c: {  	_ =	shalt  }
0x7d: {  	_ =	shalt  }
0x7e: {  	_ =	shalt  }
0x7f: {  	_ =	shalt  }
0x80: {  	_ =	shalt  }
0x81: {  	_ =	shalt  }
0x82: {  	_ =	shalt  }
0x83: {  	_ =	shalt  }
0x84: {  	_ =	shalt  }
0x85: {  	_ =	shalt  }
0x86: {  	_ =	shalt  }
0x87: {  	_ =	shalt  }
.Lfunc_end0:
.L_simem_size_0:
called_computation.1_lowered:
.L_overlay_start_0:
0x88: {  	s2 =	sld [smem:$0x3FD9]  }
0x89: {  	s3 =	sld [smem:$0x3FFE];
	_ =	sdelay $0x1  }
0x8a: {  	s1 =	srdreg.scid  }
0x8b: {  	s0 =	sand.u32 $0x1, s1  }
0x8c: {  	s14 =	sshll.u32 s0, $0xA;
	s2 =	sadd.s32 s3, s2  }
0x8d: {  	s2 =	sadd.s32 s2, s14  }
0x8e: {  	[smem:$0x3FBE] =	sst s2  }
0x8f: {  	_ = 	snop  }
0x90: {  	s2 =	sld [smem:$0x3FD0];
	_ =	sdelay $0x2  }
0x91: {  	s15 =	simm.s32 $0xA;
	s4 =	simm.s32 $0x10  }
0x92: {  	[smem:s4], [sflag:s15] =	dma.local [hbm:s2], $0x1  }
0x93: {  	_ =	swait.eq [sflag:s15], $0x1  }
0x94: {  	[sflag:s15] =	ssyncset.done $0x0  }
0x95: {  	s16 =	sld [smem:$0x10];
	[sflag:s15] =	ssyncadd.s32 $0xFFFFFFFF  }
0x96: {  	s17 =	sld [smem:$0x11];
	(tm) =	ssettm $0x1  }
0x97: {  	s18 =	sld [smem:$0x3FFB];
	_ =	sdelay $0x3  }
0x98: {  	_ =	strace s18  }
0x99: {  	s4 =	sld [smem:$0x3FFC];
	_ =	sdelay $0x3  }
0x9a: {  	_ =	strace s4  }
0x9b: {  	s4 =	sld [smem:$0x3FFD];
	_ =	sdelay $0x3  }
0x9c: {  	_ =	strace s4  }
0x9d: {  	_ =	strace $0x8FFFFFFF  }
0x9e: {  	s19 =	sld [smem:$0x3FDB];
	_ =	sdelay $0x1  }
0x9f: {  	s5 =	simm.s32 $_scs_section_size  }
0xa0: {  	s6 =	simm.s32 $_size__tile_overlayer_lowered;
	s7 =	simm.s32 $_tile_overlayer_lowered  }
0xa1: {  	s22 =	simm.s32 $0x1BFF;
	s21 =	sshll.u32 s7, $0x1;
	s4 =	sadd.s32 s5, s19  }
0xa2: {  	s8 =	simm.s32 $0x0;
	s20 =	sshll.u32 s6, $0x1;
	s6 =	sadd.s32 s21, s4  }
0xa3: {  	[timem:s8], [sflag:s22] =	dma.local [hbm:s6], s20  }
0xa4: {  	_ =	swait.ge [sflag:s22], s20  }
0xa5: {  	s5 =	ssub.s32 $0x0, s20;
	[sflag:s22] =	ssyncset.done $0x0  }
0xa6: {  	[sflag:s22] =	ssyncadd.s32 s5;
	_ =	sdelay $0x1  }
0xa7: {  	s23 =	simm.s32 $0x1B8B  }
0xa8: {  	_ =	swait.ge [sflag:s23], $0x1  }
0xa9: {  	[sflag:s23] =	ssyncset.done $0x0  }
0xaa: {  	s25 =	simm.s32 $0x1B8E;
	s24 =	sld [smem:$0x3FFE];
	[sflag:s23] =	ssyncadd.s32 $0xFFFFFFFF  }
0xab: {  	s26 =	simm.s32 $execute0_lowered;
	[smem:$0x3FD2] =	sst s25  }
0xac: {  	s6 =	sshll.u32 s26, $0x1;
	_ =	strace $0x80000049;
	[dreg:$0x1] =	wrdreg $0xFFFFFFFF  }
0xad: {  	s28 =	simm.s32 $_size_execute0_lowered;
	s4 =	sadd.s32 s4, s6;
	[dreg:$0x0] =	wrdreg $0x0  }
0xae: {  	s6 =	sshll.u32 s28, $0x1;
	[dreg:$0x2] =	wrdreg s4  }
0xaf: {  	[dreg:$0x3] =	wrdreg s6  }
0xb0: {  	[dreg:$0x4] =	wrdreg $0xC0  }
0xb1: {  	_ =	task [dreg:s8], $0x5FFFF  }
0xb2: {  	[dreg:$0x1] =	wrdreg $0xFFFFFFFF  }
0xb3: {  	[dreg:$0x0] =	wrdreg $0x60  }
0xb4: {  	[dreg:$0x2] =	wrdreg s24  }
0xb5: {  	[dreg:$0x3] =	wrdreg s17  }
0xb6: {  	[dreg:$0x4] =	wrdreg s16  }
0xb7: {  	[dreg:$0x5] =	wrdreg $0x90000  }
0xb8: {  	[dreg:$0x6] =	wrdreg $0x9  }
0xb9: {  	_ =	task.clear_ibuf [dreg:s8], $0x7FFFF;
	_ =	strace $0x90000049  }
0xba: {  	s29 =	simm.s32 $0x9;
	_ =	strace $0x8000004B  }
0xbb: {  	_ =	swait.ge [sflag:s29], $0x1  }
0xbc: {  	[sflag:s29] =	ssyncadd.s32 $0xFFFFFFFF  }
0xbd: {  	_ =	strace $0x9000004B  }
0xbe: {  	_ =	sfence  }
0xbf: {  	s30 =	sld [smem:$0x0];
	_ =	sdelay $0x2  }
0xc0: {  	s31 =	sshll.u32 s1, $0xD;
	s1 =	sshrl.u32 s1, $0x2  }
0xc1: {  	s3 =	sand.u32 $0x4000, s31;
	s1 =	sadd.s32 s1, s30  }
0xc2: {  	s0 =	sor.u32 s3, s0;
	s1 =	sshll.u32 s1, $0x11  }
0xc3: {  	s0 =	sor.u32 s1, s0  }
0xc4: {  	s0 =	sadd.s32 $0x8F2B, s0  }
0xc5: {  	[sflag:s0] =	ssyncadd.remote.s32 $0x1  }
0xc6: {  	_ =	sfence.sel $0xFFFF  }
0xc7: {  	[dreg:$0x0] =	wrdreg $0xFFFFFFFF;
	(pc) =	sbr.abs _section_cstart, $3  }
0xc8: {  	[dreg:$0x1] =	wrdreg $0xFFFFFFFF  }
0xc9: {  	_ =	task.clear_ibuf [dreg:s8], $0x2FFFF;
	_ =	strace $0x9FFFFFFF  }
0xca: {  	(tm) =	ssettm $0x7FFFFFFF  }
0xcb: {  	_ =	shalt  }
tec
execute0_lowered:
.L_overlay_start_1:
0x0: {  	(tag) =	ssettag $0x1  }
0x1: {  	s6 =	rddreg [dreg:$0x0]  }
0x2: {  	s7 =	rddreg [dreg:$0x1]  }
0x3: {  	s0 =	srdreg.scid;
	s2 =	rddreg [dreg:$0x2]  }
0x4: {  	s3 =	rddreg [dreg:$0x3];
	s1 =	stileid.u32  }
0x5: {  	s4 =	simm.s32 $0x0;
	s13 =	simm.s32 $0x80;
	s14 =	simm.s32 $0x5000  }
0x6: {  	s8 =	sand.u32 $0x1, s0;
	s0 =	rddreg [dreg:$0x4];
	s11 =	smul.u32 $0x50000, s1  }
0x7: {  	s15 =	simm.s32 $0x1;
	[smem:$0x7FF] =	sst s4;
	s17 =	smul.u32 $0x2800, s1  }
0x8: {  	s31 =	sshll.u32 s1, $0x6;
	s5 =	sshll.u32 s8, $0x4;
	_ =	strace $0x8000004A  }
0x9: {  	s10 =	smul.u32 $0x28000, s8;
	s8 =	ssub.s32 $0x2, s8;
	s5 =	sor.u32 s1, s5  }
0xa: {  	s29 =	sshrl.u32 s8, $0x1;
	s11 =	sshrl.u32 s11, $0x2;
	s9 =	smul.u32 $0x500, s5  }
0xb: {  	s5 =	sadd.s32 $0x3200, s6;
	s10 =	sadd.s32 s10, s6;
	s8 =	ssub.s32 s8, s29  }
0xc: {  	s30 =	sadd.s32 s11, s3;
	s11 =	sor.u32 $0x1C02, s31;
	s16 =	sadd.s32 $0x2B200, s10  }
0xd: {  	s8 =	smax.u32 s8, $0x1;
	s10 =	simm.s32 $0x2800;
	s12 =	sadd.s32 s9, s6  }
0xe: {  	s7 =	sadd.s32 s7, s9;
	s9 =	simm.s32 $0x2;
	s16 =	sadd.s32 s17, s16  }
0xf: {  	s17 =	simm.s32 $0x0;
	s6 =	sadd.s32 $0xA6200, s12;
	s12 =	sshrl.u32 s30, $0x3  }
.LBB2_1:
0x10: {  	[tilespmem:s4], [sflag:$0x2] =	stream.linear.gather [hbm4b:s6+s4], $0x2780, $0x38;
	[tilespmem:$0x1D000] =	vst v63  }
0x11: {  	_ =	swait.ge [sflag:s9], $0x2780  }
0x12: {  	[sflag:s9] =	ssyncset.done $0x0  }
0x13: {  	[sflag:s9] =	ssyncadd.s32 $0xFFFFD880  }
0x14: {  	[tilespmem:s10], [sflag:$0x2] =	stream.linear.gather [hbm4b:s7+s4], $0x2780, $0x38;
	[tilespmem:$0x1D000] =	vst v63  }
0x15: {  	_ =	swait.ge [sflag:s9], $0x2780  }
0x16: {  	[sflag:s9] =	ssyncset.done $0x0  }
0x17: {  	[sflag:s9] =	ssyncadd.s32 $0xFFFFD880  }
0x18: {  	[spmem:s12], [sflag:s11] =	dma.local [hbm:s2], $0x2800  }
0x19: {  	_ =	swait.ge [sflag:s9], $0x2800  }
0x1a: {  	[sflag:s9] =	ssyncset.done $0x0  }
0x1b: {  	[sflag:s9] =	ssyncadd.s32 $0xFFFFD800  }
0x1c: {  	s18 =	simm.s32 $0x0;
	[bflag:$0x0] =	sbarrier.arrive $0xFFFF  }
0x1d: {  	[tilespmem:s14], [sflag:$0x1] =	stream.indirect.gather [hbm4b:s5+s13], $0x80, s18, s13, $0xb8;
	[tilespmem:$0x1D000] =	vst v63  }
0x1e: {  	_ =	swait.ge [sflag:s15], $0x4000  }
0x1f: {  	[sflag:s15] =	ssyncset.done $0x0  }
0x20: {  	s31 =	simm.s32 $0x2800;
	[sflag:s15] =	ssyncadd.s32 $0xFFFFC000  }
0x21: {  	[spmem:s3] =	stream.indirect.scatter.add.f32 [tilespmem:s14], [sflag:$0x2], $0x80, s31, s13, $0xb8;
	[tilespmem:$0x1D000] =	vst v63  }
0x22: {  	_ =	swait.ge [sflag:s9], $0x4000  }
0x23: {  	s19 =	simm.s32 $0x400;
	s18 =	simm.s32 $0x200;
	[sflag:s9] =	ssyncset.done $0x0  }
.LBB2_2:
0x24: {  	s20 =	sshra.s32 s18, $0x2  }
0x25: {  	[sflag:s9] =	ssyncadd.s32 $0xFFFFC000;
	s18 =	smov.u32 s19;
	s21 =	sadd.s32 $0x200, s19  }
0x26: {  	[tilespmem:s14], [sflag:$0x1] =	stream.indirect.gather [hbm4b:s5+s13], $0x80, s20, s13, $0xb8;
	[tilespmem:$0x1D000] =	vst v63  }
0x27: {  	p0 =	sne.s32 s19, $0x9C00;
	_ =	swait.ge [sflag:s15], $0x4000  }
.Ltmp0:
0x28: {  	[sflag:s15] =	ssyncset.done $0x0;
	(pc) =	sbr.rel @p0 .LBB2_2-.Ltmp0, $4  }
0x29: {  	s19 =	sadd.s32 $0x2800, s20;
	[sflag:s15] =	ssyncadd.s32 $0xFFFFC000  }
0x2a: {  	[spmem:s3] =	stream.indirect.scatter.add.f32 [tilespmem:s14], [sflag:$0x2], $0x80, s19, s13, $0xb8;
	[tilespmem:$0x1D000] =	vst v63  }
0x2b: {  	_ =	swait.ge [sflag:s9], $0x4000  }
0x2c: {  	s19 =	smov.u32 s21;
	[sflag:s9] =	ssyncset.done $0x0  }
0x2d: {  	s18 =	sshra.s32 s18, $0x2;
	[sflag:s9] =	ssyncadd.s32 $0xFFFFC000  }
0x2e: {  	[tilespmem:s14], [sflag:$0x1] =	stream.indirect.gather [hbm4b:s5+s13], $0x80, s18, s13, $0xb8;
	[tilespmem:$0x1D000] =	vst v63  }
0x2f: {  	_ =	swait.ge [sflag:s15], $0x4000  }
0x30: {  	[sflag:s15] =	ssyncset.done $0x0  }
0x31: {  	s18 =	sadd.s32 $0x2800, s18;
	[sflag:s15] =	ssyncadd.s32 $0xFFFFC000  }
0x32: {  	[spmem:s3] =	stream.indirect.scatter.add.f32 [tilespmem:s14], [sflag:$0x2], $0x80, s18, s13, $0xb8;
	[tilespmem:$0x1D000] =	vst v63  }
0x33: {  	_ =	swait.ge [sflag:s9], $0x4000  }
0x34: {  	s17 =	sadd.s32 $0x1, s17;
	[sflag:s9] =	ssyncset.done $0x0  }
0x35: {  	p0 =	sne.s32 s17, s8;
	[sflag:s9] =	ssyncadd.s32 $0xFFFFC000  }
.Ltmp1:
0x36: {  	[bflag:$0x0] =	sbarrier.arrive $0xFFFF;
	(pc) =	sbr.rel @p0 .LBB2_1-.Ltmp1, $4  }
0x37: {  	[hbm:s16], [sflag:s11] =	dma.local [spmem:s12], $0x2800  }
0x38: {  	_ =	swait.ge [sflag:s9], $0x2800  }
0x39: {  	[sflag:s9] =	ssyncset.done $0x0  }
0x3a: {  	[sflag:s9] =	ssyncadd.s32 $0xFFFFD800  }
0x3b: {  	_ =	sfence.sel $0x180000  }
0x3c: {  	[bflag:$0x0] =	sbarrier.arrive $0xFFFF  }
0x3d: {  	p0 =	sne.s32 s1, $0x0;
	_ =	strace $0x9000004A  }
0x3e: {  	s0 =	sadd.s32 @!p0 $0x100000, s0;
	[bflag:$0x2] =	sbarrier.arrive $0xFFFF  }
0x3f: {  	[sflag:s0] =	ssyncadd.tile.s32 @!p0 $0x1;
	_ =	shalt  }
.Lfunc_end2:
_tile_overlayer_lowered:
.L_overlay_start_2:
0x40: {  	(tag) =	ssettag $0x2  }
0x41: {  	s0 =	rddreg [dreg:$0x0];
	s2 =	stileid.u32  }
0x42: {  	s1 =	rddreg [dreg:$0x1];
	p0 =	sne.s32 s2, $0x0  }
0x43: {  	s3 =	rddreg [dreg:$0x2];
	[bflag:$0x3] =	sbarrier.arrive $0xFFFF;
	s2 =	simm.s32 @!p0 $0x1C02  }
0x44: {  	[timem:s3], [sflag:s2] =	dma.local @!p0 [hbm:s0], s1  }
0x45: {  	s0 =	simm.s32 @!p0 $0x2  }
0x46: {  	_ =	swait.ge @!p0 [sflag:s0], s1  }
0x47: {  	s1 =	ssub.s32 @!p0 $0x0, s1;
	[sflag:s0] =	ssyncset.done @!p0 $0x0  }
0x48: {  	[sflag:s0] =	ssyncadd.s32 @!p0 s1  }
0x49: {  	[bflag:$0x3] =	sbarrier.arrive $0xFFFF  }
0x4a: {  	_ =	shalt  }

// kernel: kernel.15.cloned.1.call-start
scs
__scs_entry_jumppad:
0x0: {  	(pc) =	sbr.rel $0x88, $3  }
0x1: {  	(tag) =	ssettag $0x0;
	lr =	simm.s32 $0x1  }
0x2: {  	[smem:$0x3F97] =	sst lr;
	_ =	strace $0xD0000000  }
0x3: {  	_ = 	snop  }
0x4: {  	_ = 	snop  }
0x5: {  	_ = 	snop  }
0x6: {  	_ = 	snop  }
0x7: {  	_ = 	snop  }
__scs_overlays_trampoline_lowered:
0x8: {  	[smem:$0x3FA6] =	sst s0  }
0x9: {  	[smem:$0x3FA7] =	sst s1  }
0xa: {  	[smem:$0x3FA8] =	sst s2  }
0xb: {  	[smem:$0x3FA9] =	sst s3  }
0xc: {  	[smem:$0x3FAA] =	sst s4  }
0xd: {  	[smem:$0x3FAB] =	sst s5  }
0xe: {  	[smem:$0x3FAC] =	sst s6  }
0xf: {  	[smem:$0x3FAD] =	sst s7  }
0x10: {  	[smem:$0x3FAE] =	sst s8  }
0x11: {  	[smem:$0x3FAF] =	sst s9;
	s0 =	simm.s32 @!p0 $0x0  }
0x12: {  	s1 =	sld [smem:$0x3F95];
	s0 =	simm.s32 @p0 $0x1  }
0x13: {  	[smem:$0x3FB0] =	sst s0;
	s0 =	simm.s32 @!p1 $0x0  }
0x14: {  	s2 =	sld [smem:$0x3F94];
	s0 =	simm.s32 @p1 $0x1  }
0x15: {  	[smem:$0x3FB1] =	sst s0;
	s0 =	simm.s32 @!p2 $0x0  }
0x16: {  	s3 =	sld [smem:$0x3FDB];
	s0 =	simm.s32 @p2 $0x1  }
0x17: {  	s4 =	simm.s32 $0x1BF5;
	[smem:$0x3FB3] =	sst s0  }
0x18: {  	s0 =	sld [smem:$0x3F96];
	_ =	swait.ge [sflag:s4], $0x0  }
0x19: {  	s7 =	sld [smem:$0x3F97]  }
0x1a: {  	s8 =	sadd.s32 $0xFFFFE003, lr  }
0x1b: {  	s9 =	sadd.s32 $0xFFFFFEF7, lr;
	s5 =	simm.s32 $0xFFFFFFFF;
	p2 =	slt.u32 s8, $0xFFFFF086  }
0x1c: {  	p1 =	slt.u32 s9, $0xF7A;
	s5 =	simm.s32 @!p2 $0x0  }
0x1d: {  	s5 =	simm.s32 @p1 $0x1;
	p0 =	seq.s32 s7, s2  }
0x1e: {  	s7 =	smul.u32 @!p0 $0xF7A, s2;
	p2 =	seq.s32 @!p0 s5, $0x0  }
0x1f: {  	s9 =	smul.u32 $0xF7A, s1;
	s8 =	simm.s32 @!p0 $0x1BF5;
	p2 =	por !p2, p0  }
0x20: {  	[sflag:s8] =	ssyncset.s32 @!p0 $0xFFFFF086;
	s6 =	sadd.s32 @!p0 s3, s7;
	s7 =	simm.s32 @!p0 $0x108  }
0x21: {  	s3 =	sadd.s32 s3, s9;
	s6 =	sadd.s32 @!p0 $0x88, s6;
	s7 =	simm.s32 @p2 $0x1082  }
0x22: {  	[simem:s7], [sflag:s8] =	dma.local @!p0 [hbm:s6], $0xF7A  }
0x23: {  	s9 =	sor.u32 $0xD0000000, s2;
	s6 =	simm.s32 $0x108;
	_ =	swait.ge @!p0 [sflag:s8], $0x0  }
0x24: {  	s3 =	sadd.s32 $0x88, s3;
	s6 =	simm.s32 @!p1 $0x1082;
	[sflag:s4] =	ssyncset.s32 $0xFFFFF086  }
0x25: {  	[simem:s6], [sflag:s4] =	dma.local [hbm:s3], $0xF7A  }
0x26: {  	[smem:$0x3F97] =	sst s1;
	(tag) =	ssettag s2;
	_ =	strace s9  }
0x27: {  	s1 =	sld [smem:$0x3FA7]  }
0x28: {  	s2 =	sld [smem:$0x3FA8]  }
0x29: {  	s4 =	sld [smem:$0x3FAA]  }
0x2a: {  	p0 =	seq.s32 s5, $0x0;
	s5 =	sld [smem:$0x3FAB]  }
0x2b: {  	s6 =	sld [smem:$0x3FAC]  }
0x2c: {  	s7 =	sld [smem:$0x3FAD]  }
0x2d: {  	s3 =	simm.s32 $0x108;
	s8 =	sld [smem:$0x3FAE]  }
0x2e: {  	s3 =	simm.s32 @!p0 $0x1082;
	s9 =	sld [smem:$0x3FAF]  }
0x2f: {  	lr =	sadd.s32 s0, s3;
	s0 =	sld [smem:$0x3FA6]  }
0x30: {  	s3 =	sld [smem:$0x3FA9]  }
0x31: {  	[smem:$0x3FB2] =	sst s10  }
0x32: {  	s10 =	sld [smem:$0x3FB0];
	_ =	sdelay $0x3  }
0x33: {  	p0 =	seq.s32 s10, $0x1;
	s10 =	sld [smem:$0x3FB2];
	_ =	sdelay $0x3  }
0x34: {  	[smem:$0x3FB2] =	sst s10  }
0x35: {  	s10 =	sld [smem:$0x3FB1];
	_ =	sdelay $0x3  }
0x36: {  	p1 =	seq.s32 s10, $0x1;
	s10 =	sld [smem:$0x3FB2];
	_ =	sdelay $0x3  }
0x37: {  	[smem:$0x3FB2] =	sst s10  }
0x38: {  	s10 =	sld [smem:$0x3FB3]  }
0x39: {  	_ = 	snop;
	(pc) =	sbr.ind lr, $3  }
0x3a: {  	_ = 	snop  }
0x3b: {  	_ = 	snop  }
0x3c: {  	p2 =	seq.s32 s10, $0x1;
	s10 =	sld [smem:$0x3FB2]  }
0x3d: {  	_ =	shalt  }
0x3e: {  	_ =	shalt  }
0x3f: {  	_ =	shalt  }
0x40: {  	_ =	shalt  }
0x41: {  	_ =	shalt  }
0x42: {  	_ =	shalt  }
0x43: {  	_ =	shalt  }
0x44: {  	_ =	shalt  }
0x45: {  	_ =	shalt  }
0x46: {  	_ =	shalt  }
0x47: {  	_ =	shalt  }
0x48: {  	_ =	shalt  }
0x49: {  	_ =	shalt  }
0x4a: {  	_ =	shalt  }
0x4b: {  	_ =	shalt  }
0x4c: {  	_ =	shalt  }
0x4d: {  	_ =	shalt  }
0x4e: {  	_ =	shalt  }
0x4f: {  	_ =	shalt  }
0x50: {  	_ =	shalt  }
0x51: {  	_ =	shalt  }
0x52: {  	_ =	shalt  }
0x53: {  	_ =	shalt  }
0x54: {  	_ =	shalt  }
0x55: {  	_ =	shalt  }
0x56: {  	_ =	shalt  }
0x57: {  	_ =	shalt  }
0x58: {  	_ =	shalt  }
0x59: {  	_ =	shalt  }
0x5a: {  	_ =	shalt  }
0x5b: {  	_ =	shalt  }
0x5c: {  	_ =	shalt  }
0x5d: {  	_ =	shalt  }
0x5e: {  	_ =	shalt  }
0x5f: {  	_ =	shalt  }
0x60: {  	_ =	shalt  }
0x61: {  	_ =	shalt  }
0x62: {  	_ =	shalt  }
0x63: {  	_ =	shalt  }
0x64: {  	_ =	shalt  }
0x65: {  	_ =	shalt  }
0x66: {  	_ =	shalt  }
0x67: {  	_ =	shalt  }
0x68: {  	_ =	shalt  }
0x69: {  	_ =	shalt  }
0x6a: {  	_ =	shalt  }
0x6b: {  	_ =	shalt  }
0x6c: {  	_ =	shalt  }
0x6d: {  	_ =	shalt  }
0x6e: {  	_ =	shalt  }
0x6f: {  	_ =	shalt  }
0x70: {  	_ =	shalt  }
0x71: {  	_ =	shalt  }
0x72: {  	_ =	shalt  }
0x73: {  	_ =	shalt  }
0x74: {  	_ =	shalt  }
0x75: {  	_ =	shalt  }
0x76: {  	_ =	shalt  }
0x77: {  	_ =	shalt  }
0x78: {  	_ =	shalt  }
0x79: {  	_ =	shalt  }
0x7a: {  	_ =	shalt  }
0x7b: {  	_ =	shalt  }
0x7c: {  	_ =	shalt  }
0x7d: {  	_ =	shalt  }
0x7e: {  	_ =	shalt  }
0x7f: {  	_ =	shalt  }
0x80: {  	_ =	shalt  }
0x81: {  	_ =	shalt  }
0x82: {  	_ =	shalt  }
0x83: {  	_ =	shalt  }
0x84: {  	_ =	shalt  }
0x85: {  	_ =	shalt  }
0x86: {  	_ =	shalt  }
0x87: {  	_ =	shalt  }
.Lfunc_end0:
.L_simem_size_0:
called_computation.2_lowered:
.L_overlay_start_0:
0x88: {  	s2 =	sld [smem:$0x3FD9]  }
0x89: {  	s3 =	sld [smem:$0x3FFE];
	_ =	sdelay $0x1  }
0x8a: {  	s1 =	srdreg.scid  }
0x8b: {  	s0 =	sand.u32 $0x1, s1  }
0x8c: {  	s14 =	sshll.u32 s0, $0xA;
	s2 =	sadd.s32 s3, s2  }
0x8d: {  	s2 =	sadd.s32 s2, s14  }
0x8e: {  	[smem:$0x3FBE] =	sst s2  }
0x8f: {  	_ = 	snop  }
0x90: {  	s2 =	sld [smem:$0x3FD0];
	_ =	sdelay $0x2  }
0x91: {  	s15 =	simm.s32 $0xA;
	s4 =	simm.s32 $0x10  }
0x92: {  	[smem:s4], [sflag:s15] =	dma.local [hbm:s2], $0x1  }
0x93: {  	_ =	swait.eq [sflag:s15], $0x1  }
0x94: {  	[sflag:s15] =	ssyncset.done $0x0  }
0x95: {  	s16 =	sld [smem:$0x10];
	[sflag:s15] =	ssyncadd.s32 $0xFFFFFFFF  }
0x96: {  	s17 =	sld [smem:$0x11];
	(tm) =	ssettm $0x1  }
0x97: {  	s18 =	sld [smem:$0x3FFB];
	_ =	sdelay $0x3  }
0x98: {  	_ =	strace s18  }
0x99: {  	s4 =	sld [smem:$0x3FFC];
	_ =	sdelay $0x3  }
0x9a: {  	_ =	strace s4  }
0x9b: {  	s4 =	sld [smem:$0x3FFD];
	_ =	sdelay $0x3  }
0x9c: {  	_ =	strace s4  }
0x9d: {  	_ =	strace $0x8FFFFFFF  }
0x9e: {  	s19 =	sld [smem:$0x3FDB];
	_ =	sdelay $0x1  }
0x9f: {  	s5 =	simm.s32 $_scs_section_size  }
0xa0: {  	s6 =	simm.s32 $_size__tile_overlayer_lowered;
	s7 =	simm.s32 $_tile_overlayer_lowered  }
0xa1: {  	s22 =	simm.s32 $0x1BFF;
	s21 =	sshll.u32 s7, $0x1;
	s4 =	sadd.s32 s5, s19  }
0xa2: {  	s8 =	simm.s32 $0x0;
	s20 =	sshll.u32 s6, $0x1;
	s6 =	sadd.s32 s21, s4  }
0xa3: {  	[timem:s8], [sflag:s22] =	dma.local [hbm:s6], s20  }
0xa4: {  	_ =	swait.ge [sflag:s22], s20  }
0xa5: {  	s5 =	ssub.s32 $0x0, s20;
	[sflag:s22] =	ssyncset.done $0x0  }
0xa6: {  	[sflag:s22] =	ssyncadd.s32 s5;
	_ =	sdelay $0x1  }
0xa7: {  	s23 =	simm.s32 $0x1B8B  }
0xa8: {  	_ =	swait.ge [sflag:s23], $0x1  }
0xa9: {  	[sflag:s23] =	ssyncset.done $0x0  }
0xaa: {  	s25 =	simm.s32 $0x1B8E;
	s24 =	sld [smem:$0x3FFE];
	[sflag:s23] =	ssyncadd.s32 $0xFFFFFFFF  }
0xab: {  	s26 =	simm.s32 $execute0_lowered;
	[smem:$0x3FD2] =	sst s25  }
0xac: {  	s6 =	sshll.u32 s26, $0x1;
	_ =	strace $0x8000004C;
	[dreg:$0x1] =	wrdreg $0xFFFFFFFF  }
0xad: {  	s28 =	simm.s32 $_size_execute0_lowered;
	s4 =	sadd.s32 s4, s6;
	[dreg:$0x0] =	wrdreg $0x0  }
0xae: {  	s6 =	sshll.u32 s28, $0x1;
	[dreg:$0x2] =	wrdreg s4  }
0xaf: {  	[dreg:$0x3] =	wrdreg s6  }
0xb0: {  	[dreg:$0x4] =	wrdreg $0xC0  }
0xb1: {  	_ =	task [dreg:s8], $0x5FFFF  }
0xb2: {  	[dreg:$0x1] =	wrdreg $0xFFFFFFFF  }
0xb3: {  	[dreg:$0x0] =	wrdreg $0x60  }
0xb4: {  	[dreg:$0x2] =	wrdreg s24  }
0xb5: {  	[dreg:$0x3] =	wrdreg s17  }
0xb6: {  	[dreg:$0x4] =	wrdreg s16  }
0xb7: {  	[dreg:$0x5] =	wrdreg $0x90000  }
0xb8: {  	[dreg:$0x6] =	wrdreg $0x9  }
0xb9: {  	_ =	task.clear_ibuf [dreg:s8], $0x7FFFF;
	_ =	strace $0x9000004C  }
0xba: {  	s29 =	simm.s32 $0x9;
	_ =	strace $0x8000004E  }
0xbb: {  	_ =	swait.ge [sflag:s29], $0x1  }
0xbc: {  	[sflag:s29] =	ssyncadd.s32 $0xFFFFFFFF  }
0xbd: {  	_ =	strace $0x9000004E  }
0xbe: {  	_ =	sfence  }
0xbf: {  	s30 =	sld [smem:$0x0];
	_ =	sdelay $0x2  }
0xc0: {  	s31 =	sshll.u32 s1, $0xD;
	s1 =	sshrl.u32 s1, $0x2  }
0xc1: {  	s3 =	sand.u32 $0x4000, s31;
	s1 =	sadd.s32 s1, s30  }
0xc2: {  	s0 =	sor.u32 s3, s0;
	s1 =	sshll.u32 s1, $0x11  }
0xc3: {  	s0 =	sor.u32 s1, s0  }
0xc4: {  	s0 =	sadd.s32 $0x8F2B, s0  }
0xc5: {  	[sflag:s0] =	ssyncadd.remote.s32 $0x1  }
0xc6: {  	_ =	sfence.sel $0xFFFF  }
0xc7: {  	[dreg:$0x0] =	wrdreg $0xFFFFFFFF;
	(pc) =	sbr.abs _section_cstart, $3  }
0xc8: {  	[dreg:$0x1] =	wrdreg $0xFFFFFFFF  }
0xc9: {  	_ =	task.clear_ibuf [dreg:s8], $0x2FFFF;
	_ =	strace $0x9FFFFFFF  }
0xca: {  	(tm) =	ssettm $0x7FFFFFFF  }
0xcb: {  	_ =	shalt  }
tec
execute0_lowered:
.L_overlay_start_1:
0x0: {  	(tag) =	ssettag $0x1  }
0x1: {  	s6 =	rddreg [dreg:$0x0]  }
0x2: {  	s7 =	rddreg [dreg:$0x1]  }
0x3: {  	s0 =	srdreg.scid;
	s2 =	rddreg [dreg:$0x2]  }
0x4: {  	s3 =	rddreg [dreg:$0x3];
	s1 =	stileid.u32  }
0x5: {  	s4 =	simm.s32 $0x0;
	s13 =	simm.s32 $0x80;
	s14 =	simm.s32 $0x5000  }
0x6: {  	s8 =	sand.u32 $0x1, s0;
	s0 =	rddreg [dreg:$0x4];
	s11 =	smul.u32 $0x50000, s1  }
0x7: {  	s15 =	simm.s32 $0x1;
	[smem:$0x7FF] =	sst s4;
	s17 =	smul.u32 $0x2800, s1  }
0x8: {  	s31 =	sshll.u32 s1, $0x6;
	s5 =	sshll.u32 s8, $0x4;
	_ =	strace $0x8000004D  }
0x9: {  	s10 =	smul.u32 $0x28000, s8;
	s8 =	ssub.s32 $0x2, s8;
	s5 =	sor.u32 s1, s5  }
0xa: {  	s29 =	sshrl.u32 s8, $0x1;
	s11 =	sshrl.u32 s11, $0x2;
	s9 =	smul.u32 $0x500, s5  }
0xb: {  	s5 =	sadd.s32 $0x3200, s6;
	s10 =	sadd.s32 s10, s6;
	s8 =	ssub.s32 s8, s29  }
0xc: {  	s30 =	sadd.s32 s11, s3;
	s11 =	sor.u32 $0x1C02, s31;
	s16 =	sadd.s32 $0x2B200, s10  }
0xd: {  	s8 =	smax.u32 s8, $0x1;
	s10 =	simm.s32 $0x2800;
	s12 =	sadd.s32 s9, s6  }
0xe: {  	s7 =	sadd.s32 s7, s9;
	s9 =	simm.s32 $0x2;
	s16 =	sadd.s32 s17, s16  }
0xf: {  	s17 =	simm.s32 $0x0;
	s6 =	sadd.s32 $0xA6200, s12;
	s12 =	sshrl.u32 s30, $0x3  }
.LBB2_1:
0x10: {  	[tilespmem:s4], [sflag:$0x2] =	stream.linear.gather [hbm4b:s6+s4], $0x2780, $0x38;
	[tilespmem:$0x1D000] =	vst v63  }
0x11: {  	_ =	swait.ge [sflag:s9], $0x2780  }
0x12: {  	[sflag:s9] =	ssyncset.done $0x0  }
0x13: {  	[sflag:s9] =	ssyncadd.s32 $0xFFFFD880  }
0x14: {  	[tilespmem:s10], [sflag:$0x2] =	stream.linear.gather [hbm4b:s7+s4], $0x2780, $0x38;
	[tilespmem:$0x1D000] =	vst v63  }
0x15: {  	_ =	swait.ge [sflag:s9], $0x2780  }
0x16: {  	[sflag:s9] =	ssyncset.done $0x0  }
0x17: {  	[sflag:s9] =	ssyncadd.s32 $0xFFFFD880  }
0x18: {  	[spmem:s12], [sflag:s11] =	dma.local [hbm:s2], $0x2800  }
0x19: {  	_ =	swait.ge [sflag:s9], $0x2800  }
0x1a: {  	[sflag:s9] =	ssyncset.done $0x0  }
0x1b: {  	[sflag:s9] =	ssyncadd.s32 $0xFFFFD800  }
0x1c: {  	s18 =	simm.s32 $0x0;
	[bflag:$0x0] =	sbarrier.arrive $0xFFFF  }
0x1d: {  	[tilespmem:s14], [sflag:$0x1] =	stream.indirect.gather [hbm4b:s5+s13], $0x80, s18, s13, $0xb8;
	[tilespmem:$0x1D000] =	vst v63  }
0x1e: {  	_ =	swait.ge [sflag:s15], $0x4000  }
0x1f: {  	[sflag:s15] =	ssyncset.done $0x0  }
0x20: {  	s31 =	simm.s32 $0x2800;
	[sflag:s15] =	ssyncadd.s32 $0xFFFFC000  }
0x21: {  	[spmem:s3] =	stream.indirect.scatter.add.f32 [tilespmem:s14], [sflag:$0x2], $0x80, s31, s13, $0xb8;
	[tilespmem:$0x1D000] =	vst v63  }
0x22: {  	_ =	swait.ge [sflag:s9], $0x4000  }
0x23: {  	s19 =	simm.s32 $0x400;
	s18 =	simm.s32 $0x200;
	[sflag:s9] =	ssyncset.done $0x0  }
.LBB2_2:
0x24: {  	s20 =	sshra.s32 s18, $0x2  }
0x25: {  	[sflag:s9] =	ssyncadd.s32 $0xFFFFC000;
	s18 =	smov.u32 s19;
	s21 =	sadd.s32 $0x200, s19  }
0x26: {  	[tilespmem:s14], [sflag:$0x1] =	stream.indirect.gather [hbm4b:s5+s13], $0x80, s20, s13, $0xb8;
	[tilespmem:$0x1D000] =	vst v63  }
0x27: {  	p0 =	sne.s32 s19, $0x9C00;
	_ =	swait.ge [sflag:s15], $0x4000  }
.Ltmp0:
0x28: {  	[sflag:s15] =	ssyncset.done $0x0;
	(pc) =	sbr.rel @p0 .LBB2_2-.Ltmp0, $4  }
0x29: {  	s19 =	sadd.s32 $0x2800, s20;
	[sflag:s15] =	ssyncadd.s32 $0xFFFFC000  }
0x2a: {  	[spmem:s3] =	stream.indirect.scatter.add.f32 [tilespmem:s14], [sflag:$0x2], $0x80, s19, s13, $0xb8;
	[tilespmem:$0x1D000] =	vst v63  }
0x2b: {  	_ =	swait.ge [sflag:s9], $0x4000  }
0x2c: {  	s19 =	smov.u32 s21;
	[sflag:s9] =	ssyncset.done $0x0  }
0x2d: {  	s18 =	sshra.s32 s18, $0x2;
	[sflag:s9] =	ssyncadd.s32 $0xFFFFC000  }
0x2e: {  	[tilespmem:s14], [sflag:$0x1] =	stream.indirect.gather [hbm4b:s5+s13], $0x80, s18, s13, $0xb8;
	[tilespmem:$0x1D000] =	vst v63  }
0x2f: {  	_ =	swait.ge [sflag:s15], $0x4000  }
0x30: {  	[sflag:s15] =	ssyncset.done $0x0  }
0x31: {  	s18 =	sadd.s32 $0x2800, s18;
	[sflag:s15] =	ssyncadd.s32 $0xFFFFC000  }
0x32: {  	[spmem:s3] =	stream.indirect.scatter.add.f32 [tilespmem:s14], [sflag:$0x2], $0x80, s18, s13, $0xb8;
	[tilespmem:$0x1D000] =	vst v63  }
0x33: {  	_ =	swait.ge [sflag:s9], $0x4000  }
0x34: {  	s17 =	sadd.s32 $0x1, s17;
	[sflag:s9] =	ssyncset.done $0x0  }
0x35: {  	p0 =	sne.s32 s17, s8;
	[sflag:s9] =	ssyncadd.s32 $0xFFFFC000  }
.Ltmp1:
0x36: {  	[bflag:$0x0] =	sbarrier.arrive $0xFFFF;
	(pc) =	sbr.rel @p0 .LBB2_1-.Ltmp1, $4  }
0x37: {  	[hbm:s16], [sflag:s11] =	dma.local [spmem:s12], $0x2800  }
0x38: {  	_ =	swait.ge [sflag:s9], $0x2800  }
0x39: {  	[sflag:s9] =	ssyncset.done $0x0  }
0x3a: {  	[sflag:s9] =	ssyncadd.s32 $0xFFFFD800  }
0x3b: {  	_ =	sfence.sel $0x180000  }
0x3c: {  	[bflag:$0x0] =	sbarrier.arrive $0xFFFF  }
0x3d: {  	p0 =	sne.s32 s1, $0x0;
	_ =	strace $0x9000004D  }
0x3e: {  	s0 =	sadd.s32 @!p0 $0x100000, s0;
	[bflag:$0x2] =	sbarrier.arrive $0xFFFF  }
0x3f: {  	[sflag:s0] =	ssyncadd.tile.s32 @!p0 $0x1;
	_ =	shalt  }
.Lfunc_end2:
_tile_overlayer_lowered:
.L_overlay_start_2:
0x40: {  	(tag) =	ssettag $0x2  }
0x41: {  	s0 =	rddreg [dreg:$0x0];
	s2 =	stileid.u32  }
0x42: {  	s1 =	rddreg [dreg:$0x1];
	p0 =	sne.s32 s2, $0x0  }
0x43: {  	s3 =	rddreg [dreg:$0x2];
	[bflag:$0x3] =	sbarrier.arrive $0xFFFF;
	s2 =	simm.s32 @!p0 $0x1C02  }
0x44: {  	[timem:s3], [sflag:s2] =	dma.local @!p0 [hbm:s0], s1  }
0x45: {  	s0 =	simm.s32 @!p0 $0x2  }
0x46: {  	_ =	swait.ge @!p0 [sflag:s0], s1  }
0x47: {  	s1 =	ssub.s32 @!p0 $0x0, s1;
	[sflag:s0] =	ssyncset.done @!p0 $0x0  }
0x48: {  	[sflag:s0] =	ssyncadd.s32 @!p0 s1  }
0x49: {  	[bflag:$0x3] =	sbarrier.arrive $0xFFFF  }
0x4a: {  	_ =	shalt  }

// kernel: kernel.9.cloned.1.call-start
scs
__scs_entry_jumppad:
0x0: {  	(pc) =	sbr.rel $0x88, $3  }
0x1: {  	(tag) =	ssettag $0x0;
	lr =	simm.s32 $0x1  }
0x2: {  	[smem:$0x3F97] =	sst lr;
	_ =	strace $0xD0000000  }
0x3: {  	_ = 	snop  }
0x4: {  	_ = 	snop  }
0x5: {  	_ = 	snop  }
0x6: {  	_ = 	snop  }
0x7: {  	_ = 	snop  }
__scs_overlays_trampoline_lowered:
0x8: {  	[smem:$0x3FA6] =	sst s0  }
0x9: {  	[smem:$0x3FA7] =	sst s1  }
0xa: {  	[smem:$0x3FA8] =	sst s2  }
0xb: {  	[smem:$0x3FA9] =	sst s3  }
0xc: {  	[smem:$0x3FAA] =	sst s4  }
0xd: {  	[smem:$0x3FAB] =	sst s5  }
0xe: {  	[smem:$0x3FAC] =	sst s6  }
0xf: {  	[smem:$0x3FAD] =	sst s7  }
0x10: {  	[smem:$0x3FAE] =	sst s8  }
0x11: {  	[smem:$0x3FAF] =	sst s9;
	s0 =	simm.s32 @!p0 $0x0  }
0x12: {  	s1 =	sld [smem:$0x3F95];
	s0 =	simm.s32 @p0 $0x1  }
0x13: {  	[smem:$0x3FB0] =	sst s0;
	s0 =	simm.s32 @!p1 $0x0  }
0x14: {  	s2 =	sld [smem:$0x3F94];
	s0 =	simm.s32 @p1 $0x1  }
0x15: {  	[smem:$0x3FB1] =	sst s0;
	s0 =	simm.s32 @!p2 $0x0  }
0x16: {  	s3 =	sld [smem:$0x3FDB];
	s0 =	simm.s32 @p2 $0x1  }
0x17: {  	s4 =	simm.s32 $0x1BF5;
	[smem:$0x3FB3] =	sst s0  }
0x18: {  	s0 =	sld [smem:$0x3F96];
	_ =	swait.ge [sflag:s4], $0x0  }
0x19: {  	s7 =	sld [smem:$0x3F97]  }
0x1a: {  	s8 =	sadd.s32 $0xFFFFE003, lr  }
0x1b: {  	s9 =	sadd.s32 $0xFFFFFEF7, lr;
	s5 =	simm.s32 $0xFFFFFFFF;
	p2 =	slt.u32 s8, $0xFFFFF086  }
0x1c: {  	p1 =	slt.u32 s9, $0xF7A;
	s5 =	simm.s32 @!p2 $0x0  }
0x1d: {  	s5 =	simm.s32 @p1 $0x1;
	p0 =	seq.s32 s7, s2  }
0x1e: {  	s7 =	smul.u32 @!p0 $0xF7A, s2;
	p2 =	seq.s32 @!p0 s5, $0x0  }
0x1f: {  	s9 =	smul.u32 $0xF7A, s1;
	s8 =	simm.s32 @!p0 $0x1BF5;
	p2 =	por !p2, p0  }
0x20: {  	[sflag:s8] =	ssyncset.s32 @!p0 $0xFFFFF086;
	s6 =	sadd.s32 @!p0 s3, s7;
	s7 =	simm.s32 @!p0 $0x108  }
0x21: {  	s3 =	sadd.s32 s3, s9;
	s6 =	sadd.s32 @!p0 $0x88, s6;
	s7 =	simm.s32 @p2 $0x1082  }
0x22: {  	[simem:s7], [sflag:s8] =	dma.local @!p0 [hbm:s6], $0xF7A  }
0x23: {  	s9 =	sor.u32 $0xD0000000, s2;
	s6 =	simm.s32 $0x108;
	_ =	swait.ge @!p0 [sflag:s8], $0x0  }
0x24: {  	s3 =	sadd.s32 $0x88, s3;
	s6 =	simm.s32 @!p1 $0x1082;
	[sflag:s4] =	ssyncset.s32 $0xFFFFF086  }
0x25: {  	[simem:s6], [sflag:s4] =	dma.local [hbm:s3], $0xF7A  }
0x26: {  	[smem:$0x3F97] =	sst s1;
	(tag) =	ssettag s2;
	_ =	strace s9  }
0x27: {  	s1 =	sld [smem:$0x3FA7]  }
0x28: {  	s2 =	sld [smem:$0x3FA8]  }
0x29: {  	s4 =	sld [smem:$0x3FAA]  }
0x2a: {  	p0 =	seq.s32 s5, $0x0;
	s5 =	sld [smem:$0x3FAB]  }
0x2b: {  	s6 =	sld [smem:$0x3FAC]  }
0x2c: {  	s7 =	sld [smem:$0x3FAD]  }
0x2d: {  	s3 =	simm.s32 $0x108;
	s8 =	sld [smem:$0x3FAE]  }
0x2e: {  	s3 =	simm.s32 @!p0 $0x1082;
	s9 =	sld [smem:$0x3FAF]  }
0x2f: {  	lr =	sadd.s32 s0, s3;
	s0 =	sld [smem:$0x3FA6]  }
0x30: {  	s3 =	sld [smem:$0x3FA9]  }
0x31: {  	[smem:$0x3FB2] =	sst s10  }
0x32: {  	s10 =	sld [smem:$0x3FB0];
	_ =	sdelay $0x3  }
0x33: {  	p0 =	seq.s32 s10, $0x1;
	s10 =	sld [smem:$0x3FB2];
	_ =	sdelay $0x3  }
0x34: {  	[smem:$0x3FB2] =	sst s10  }
0x35: {  	s10 =	sld [smem:$0x3FB1];
	_ =	sdelay $0x3  }
0x36: {  	p1 =	seq.s32 s10, $0x1;
	s10 =	sld [smem:$0x3FB2];
	_ =	sdelay $0x3  }
0x37: {  	[smem:$0x3FB2] =	sst s10  }
0x38: {  	s10 =	sld [smem:$0x3FB3]  }
0x39: {  	_ = 	snop;
	(pc) =	sbr.ind lr, $3  }
0x3a: {  	_ = 	snop  }
0x3b: {  	_ = 	snop  }
0x3c: {  	p2 =	seq.s32 s10, $0x1;
	s10 =	sld [smem:$0x3FB2]  }
0x3d: {  	_ =	shalt  }
0x3e: {  	_ =	shalt  }
0x3f: {  	_ =	shalt  }
0x40: {  	_ =	shalt  }
0x41: {  	_ =	shalt  }
0x42: {  	_ =	shalt  }
0x43: {  	_ =	shalt  }
0x44: {  	_ =	shalt  }
0x45: {  	_ =	shalt  }
0x46: {  	_ =	shalt  }
0x47: {  	_ =	shalt  }
0x48: {  	_ =	shalt  }
0x49: {  	_ =	shalt  }
0x4a: {  	_ =	shalt  }
0x4b: {  	_ =	shalt  }
0x4c: {  	_ =	shalt  }
0x4d: {  	_ =	shalt  }
0x4e: {  	_ =	shalt  }
0x4f: {  	_ =	shalt  }
0x50: {  	_ =	shalt  }
0x51: {  	_ =	shalt  }
0x52: {  	_ =	shalt  }
0x53: {  	_ =	shalt  }
0x54: {  	_ =	shalt  }
0x55: {  	_ =	shalt  }
0x56: {  	_ =	shalt  }
0x57: {  	_ =	shalt  }
0x58: {  	_ =	shalt  }
0x59: {  	_ =	shalt  }
0x5a: {  	_ =	shalt  }
0x5b: {  	_ =	shalt  }
0x5c: {  	_ =	shalt  }
0x5d: {  	_ =	shalt  }
0x5e: {  	_ =	shalt  }
0x5f: {  	_ =	shalt  }
0x60: {  	_ =	shalt  }
0x61: {  	_ =	shalt  }
0x62: {  	_ =	shalt  }
0x63: {  	_ =	shalt  }
0x64: {  	_ =	shalt  }
0x65: {  	_ =	shalt  }
0x66: {  	_ =	shalt  }
0x67: {  	_ =	shalt  }
0x68: {  	_ =	shalt  }
0x69: {  	_ =	shalt  }
0x6a: {  	_ =	shalt  }
0x6b: {  	_ =	shalt  }
0x6c: {  	_ =	shalt  }
0x6d: {  	_ =	shalt  }
0x6e: {  	_ =	shalt  }
0x6f: {  	_ =	shalt  }
0x70: {  	_ =	shalt  }
0x71: {  	_ =	shalt  }
0x72: {  	_ =	shalt  }
0x73: {  	_ =	shalt  }
0x74: {  	_ =	shalt  }
0x75: {  	_ =	shalt  }
0x76: {  	_ =	shalt  }
0x77: {  	_ =	shalt  }
0x78: {  	_ =	shalt  }
0x79: {  	_ =	shalt  }
0x7a: {  	_ =	shalt  }
0x7b: {  	_ =	shalt  }
0x7c: {  	_ =	shalt  }
0x7d: {  	_ =	shalt  }
0x7e: {  	_ =	shalt  }
0x7f: {  	_ =	shalt  }
0x80: {  	_ =	shalt  }
0x81: {  	_ =	shalt  }
0x82: {  	_ =	shalt  }
0x83: {  	_ =	shalt  }
0x84: {  	_ =	shalt  }
0x85: {  	_ =	shalt  }
0x86: {  	_ =	shalt  }
0x87: {  	_ =	shalt  }
.Lfunc_end0:
.L_simem_size_0:
called_computation_lowered:
.L_overlay_start_0:
0x88: {  	s2 =	sld [smem:$0x3FD9]  }
0x89: {  	s3 =	sld [smem:$0x3FFE];
	_ =	sdelay $0x1  }
0x8a: {  	s1 =	srdreg.scid  }
0x8b: {  	s0 =	sand.u32 $0x1, s1  }
0x8c: {  	s14 =	sshll.u32 s0, $0xA;
	s2 =	sadd.s32 s3, s2  }
0x8d: {  	s2 =	sadd.s32 s2, s14  }
0x8e: {  	[smem:$0x3FBE] =	sst s2  }
0x8f: {  	_ = 	snop  }
0x90: {  	s2 =	sld [smem:$0x3FD0];
	_ =	sdelay $0x2  }
0x91: {  	s15 =	simm.s32 $0xA;
	s4 =	simm.s32 $0x10  }
0x92: {  	[smem:s4], [sflag:s15] =	dma.local [hbm:s2], $0x1  }
0x93: {  	_ =	swait.eq [sflag:s15], $0x1  }
0x94: {  	[sflag:s15] =	ssyncset.done $0x0  }
0x95: {  	s16 =	sld [smem:$0x10];
	[sflag:s15] =	ssyncadd.s32 $0xFFFFFFFF  }
0x96: {  	s17 =	sld [smem:$0x11];
	(tm) =	ssettm $0x1  }
0x97: {  	s18 =	sld [smem:$0x3FFB];
	_ =	sdelay $0x3  }
0x98: {  	_ =	strace s18  }
0x99: {  	s4 =	sld [smem:$0x3FFC];
	_ =	sdelay $0x3  }
0x9a: {  	_ =	strace s4  }
0x9b: {  	s4 =	sld [smem:$0x3FFD];
	_ =	sdelay $0x3  }
0x9c: {  	_ =	strace s4  }
0x9d: {  	_ =	strace $0x8FFFFFFF  }
0x9e: {  	s19 =	sld [smem:$0x3FDB];
	_ =	sdelay $0x1  }
0x9f: {  	s5 =	simm.s32 $_scs_section_size  }
0xa0: {  	s6 =	simm.s32 $_size__tile_overlayer_lowered;
	s7 =	simm.s32 $_tile_overlayer_lowered  }
0xa1: {  	s22 =	simm.s32 $0x1BFF;
	s21 =	sshll.u32 s7, $0x1;
	s4 =	sadd.s32 s5, s19  }
0xa2: {  	s8 =	simm.s32 $0x0;
	s20 =	sshll.u32 s6, $0x1;
	s6 =	sadd.s32 s21, s4  }
0xa3: {  	[timem:s8], [sflag:s22] =	dma.local [hbm:s6], s20  }
0xa4: {  	_ =	swait.ge [sflag:s22], s20  }
0xa5: {  	s5 =	ssub.s32 $0x0, s20;
	[sflag:s22] =	ssyncset.done $0x0  }
0xa6: {  	[sflag:s22] =	ssyncadd.s32 s5;
	_ =	sdelay $0x1  }
0xa7: {  	s23 =	simm.s32 $0x1B8B  }
0xa8: {  	_ =	swait.ge [sflag:s23], $0x1  }
0xa9: {  	[sflag:s23] =	ssyncset.done $0x0  }
0xaa: {  	s25 =	simm.s32 $0x1B8E;
	s24 =	sld [smem:$0x3FFE];
	[sflag:s23] =	ssyncadd.s32 $0xFFFFFFFF  }
0xab: {  	s26 =	simm.s32 $execute0_lowered;
	[smem:$0x3FD2] =	sst s25  }
0xac: {  	s6 =	sshll.u32 s26, $0x1;
	_ =	strace $0x80000046;
	[dreg:$0x1] =	wrdreg $0xFFFFFFFF  }
0xad: {  	s28 =	simm.s32 $_size_execute0_lowered;
	s4 =	sadd.s32 s4, s6;
	[dreg:$0x0] =	wrdreg $0x0  }
0xae: {  	s6 =	sshll.u32 s28, $0x1;
	[dreg:$0x2] =	wrdreg s4  }
0xaf: {  	[dreg:$0x3] =	wrdreg s6  }
0xb0: {  	[dreg:$0x4] =	wrdreg $0xC0  }
0xb1: {  	_ =	task [dreg:s8], $0x5FFFF  }
0xb2: {  	[dreg:$0x1] =	wrdreg $0xFFFFFFFF  }
0xb3: {  	[dreg:$0x0] =	wrdreg $0x60  }
0xb4: {  	[dreg:$0x2] =	wrdreg s16  }
0xb5: {  	[dreg:$0x3] =	wrdreg s17  }
0xb6: {  	[dreg:$0x4] =	wrdreg s24  }
0xb7: {  	[dreg:$0x5] =	wrdreg $0x90000  }
0xb8: {  	[dreg:$0x6] =	wrdreg $0xB8000  }
0xb9: {  	[dreg:$0x7] =	wrdreg $0x9  }
0xba: {  	_ =	task.clear_ibuf [dreg:s8], $0x8FFFF;
	_ =	strace $0x90000046  }
0xbb: {  	s29 =	simm.s32 $0x9;
	_ =	strace $0x80000048  }
0xbc: {  	_ =	swait.ge [sflag:s29], $0x1  }
0xbd: {  	[sflag:s29] =	ssyncadd.s32 $0xFFFFFFFF  }
0xbe: {  	_ =	strace $0x90000048  }
0xbf: {  	_ =	sfence  }
0xc0: {  	s30 =	sld [smem:$0x0];
	_ =	sdelay $0x2  }
0xc1: {  	s31 =	sshll.u32 s1, $0xD;
	s1 =	sshrl.u32 s1, $0x2  }
0xc2: {  	s3 =	sand.u32 $0x4000, s31;
	s1 =	sadd.s32 s1, s30  }
0xc3: {  	s0 =	sor.u32 s3, s0;
	s1 =	sshll.u32 s1, $0x11  }
0xc4: {  	s0 =	sor.u32 s1, s0  }
0xc5: {  	s0 =	sadd.s32 $0x8F2B, s0  }
0xc6: {  	[sflag:s0] =	ssyncadd.remote.s32 $0x1  }
0xc7: {  	_ =	sfence.sel $0xFFFF  }
0xc8: {  	[dreg:$0x0] =	wrdreg $0xFFFFFFFF;
	(pc) =	sbr.abs _section_cstart, $3  }
0xc9: {  	[dreg:$0x1] =	wrdreg $0xFFFFFFFF  }
0xca: {  	_ =	task.clear_ibuf [dreg:s8], $0x2FFFF;
	_ =	strace $0x9FFFFFFF  }
0xcb: {  	(tm) =	ssettm $0x7FFFFFFF  }
tec
execute0_lowered:
.L_overlay_start_1:
0x0: {  	(tag) =	ssettag $0x1  }
0x1: {  	s7 =	rddreg [dreg:$0x0]  }
0x2: {  	s8 =	rddreg [dreg:$0x1]  }
0x3: {  	s9 =	rddreg [dreg:$0x2]  }
0x4: {  	s1 =	rddreg [dreg:$0x3]  }
0x5: {  	s2 =	rddreg [dreg:$0x4]  }
0x6: {  	s3 =	srdreg.scid;
	s0 =	rddreg [dreg:$0x5];
	s4 =	simm.s32 $0x0  }
0x7: {  	s6 =	sand.u32 $0x1, s3;
	[smem:$0x7FF] =	sst s4  }
0x8: {  	s3 =	stileid.u32;
	s10 =	smul.u32 $0x28000, s6  }
0x9: {  	s5 =	sshll.u32 s6, $0x4;
	_ =	strace $0x80000047;
	s14 =	smul.u32 $0x14000, s3  }
0xa: {  	s12 =	ssub.s32 $0x2, s6;
	s6 =	sadd.s32 $0x3200, s9;
	s18 =	smul.u32 $0x2800, s3  }
0xb: {  	s31 =	sshll.u32 s3, $0x6;
	s11 =	sor.u32 s3, s5;
	s5 =	sadd.s32 $0x5A00, s9  }
0xc: {  	s13 =	sshrl.u32 s12, $0x1;
	s11 =	smul.u32 $0x500, s11;
	s9 =	sadd.s32 s10, s9  }
0xd: {  	s30 =	ssub.s32 s12, s13;
	s15 =	sadd.s32 s14, s1;
	s16 =	sadd.s32 s14, s2  }
0xe: {  	s10 =	simm.s32 $0x1;
	s12 =	simm.s32 $0x5000;
	s13 =	sor.u32 $0x1C01, s31  }
0xf: {  	s17 =	sadd.s32 $0x6200, s9;
	s19 =	sadd.s32 $0x56200, s9;
	s9 =	smax.u32 s30, $0x1  }
0x10: {  	s14 =	sshrl.u32 s15, $0x3;
	s15 =	sshrl.u32 s16, $0x3;
	s16 =	simm.s32 $0x80  }
0x11: {  	s7 =	sadd.s32 s7, s11;
	s8 =	sadd.s32 s8, s11;
	s11 =	simm.s32 $0x2800  }
0x12: {  	s17 =	sadd.s32 s18, s17;
	s18 =	sadd.s32 s18, s19;
	s19 =	simm.s32 $0x0  }
.LBB2_1:
0x13: {  	[tilespmem:s4], [sflag:$0x1] =	stream.linear.gather [hbm4b:s7+s4], $0x2780, $0x38;
	[tilespmem:$0xE000] =	vst v63  }
0x14: {  	_ =	swait.ge [sflag:s10], $0x2780  }
0x15: {  	[sflag:s10] =	ssyncset.done $0x0  }
0x16: {  	[sflag:s10] =	ssyncadd.s32 $0xFFFFD880  }
0x17: {  	[tilespmem:s11], [sflag:$0x1] =	stream.linear.gather [hbm4b:s8+s4], $0x2780, $0x38;
	[tilespmem:$0xE000] =	vst v63  }
0x18: {  	_ =	swait.ge [sflag:s10], $0x2780  }
0x19: {  	[sflag:s10] =	ssyncset.done $0x0  }
0x1a: {  	[sflag:s10] =	ssyncadd.s32 $0xFFFFD880  }
0x1b: {  	[tilespmem:s12], [sflag:$0x1] =	stream.linear.gather [hbm4b:s5+s4], $0x4000, $0x38;
	[tilespmem:$0xE000] =	vst v63  }
0x1c: {  	_ =	swait.ge [sflag:s10], $0x4000  }
0x1d: {  	[sflag:s10] =	ssyncset.done $0x0  }
0x1e: {  	[sflag:s10] =	ssyncadd.s32 $0xFFFFC000  }
0x1f: {  	[spmem:s14], [sflag:s13] =	dma.local [hbm:s6], $0x2800  }
0x20: {  	_ =	swait.ge [sflag:s10], $0x2800  }
0x21: {  	[sflag:s10] =	ssyncset.done $0x0  }
0x22: {  	[sflag:s10] =	ssyncadd.s32 $0xFFFFD800  }
0x23: {  	[spmem:s15], [sflag:s13] =	dma.local [hbm:s6], $0x2800  }
0x24: {  	_ =	swait.ge [sflag:s10], $0x2800  }
0x25: {  	[sflag:s10] =	ssyncset.done $0x0  }
0x26: {  	[sflag:s10] =	ssyncadd.s32 $0xFFFFD800  }
0x27: {  	s20 =	simm.s32 $0x0;
	[bflag:$0x0] =	sbarrier.arrive $0xFFFF  }
0x28: {  	[spmem:s1] =	stream.indirect.scatter.add.f32 [tilespmem:s12], [sflag:$0x1], $0x10, s20, s16, $0xb8;
	[tilespmem:$0xE000] =	vst v63  }
0x29: {  	_ =	swait.ge [sflag:s10], $0x800  }
0x2a: {  	[sflag:s10] =	ssyncset.done $0x0  }
0x2b: {  	s31 =	simm.s32 $0x2800;
	[sflag:s10] =	ssyncadd.s32 $0xFFFFF800  }
0x2c: {  	[spmem:s2] =	stream.indirect.scatter.add.f32 [tilespmem:s12], [sflag:$0x1], $0x10, s31, s16, $0xb8;
	[tilespmem:$0xE000] =	vst v63  }
0x2d: {  	_ =	swait.ge [sflag:s10], $0x800  }
0x2e: {  	s21 =	simm.s32 $0x400;
	s20 =	simm.s32 $0x200;
	[sflag:s10] =	ssyncset.done $0x0  }
.LBB2_2:
0x2f: {  	s22 =	sshra.s32 s20, $0x2  }
0x30: {  	[sflag:s10] =	ssyncadd.s32 $0xFFFFF800;
	s20 =	smov.u32 s21;
	s23 =	sadd.s32 $0x200, s21  }
0x31: {  	[spmem:s1] =	stream.indirect.scatter.add.f32 [tilespmem:s12], [sflag:$0x1], $0x10, s22, s16, $0xb8;
	[tilespmem:$0xE000] =	vst v63  }
0x32: {  	p0 =	sne.s32 s21, $0x9C00;
	_ =	swait.ge [sflag:s10], $0x800  }
.Ltmp0:
0x33: {  	[sflag:s10] =	ssyncset.done $0x0;
	(pc) =	sbr.rel @p0 .LBB2_2-.Ltmp0, $4  }
0x34: {  	s21 =	sadd.s32 $0x2800, s22;
	[sflag:s10] =	ssyncadd.s32 $0xFFFFF800  }
0x35: {  	[spmem:s2] =	stream.indirect.scatter.add.f32 [tilespmem:s12], [sflag:$0x1], $0x10, s21, s16, $0xb8;
	[tilespmem:$0xE000] =	vst v63  }
0x36: {  	_ =	swait.ge [sflag:s10], $0x800  }
0x37: {  	s21 =	smov.u32 s23;
	[sflag:s10] =	ssyncset.done $0x0  }
0x38: {  	s20 =	sshra.s32 s20, $0x2;
	[sflag:s10] =	ssyncadd.s32 $0xFFFFF800  }
0x39: {  	[spmem:s1] =	stream.indirect.scatter.add.f32 [tilespmem:s12], [sflag:$0x1], $0x10, s20, s16, $0xb8;
	[tilespmem:$0xE000] =	vst v63  }
0x3a: {  	_ =	swait.ge [sflag:s10], $0x800  }
0x3b: {  	[sflag:s10] =	ssyncset.done $0x0  }
0x3c: {  	s20 =	sadd.s32 $0x2800, s20;
	[sflag:s10] =	ssyncadd.s32 $0xFFFFF800  }
0x3d: {  	[spmem:s2] =	stream.indirect.scatter.add.f32 [tilespmem:s12], [sflag:$0x1], $0x10, s20, s16, $0xb8;
	[tilespmem:$0xE000] =	vst v63  }
0x3e: {  	_ =	swait.ge [sflag:s10], $0x800  }
0x3f: {  	[sflag:s10] =	ssyncset.done $0x0  }
0x40: {  	[sflag:s10] =	ssyncadd.s32 $0xFFFFF800  }
0x41: {  	[bflag:$0x0] =	sbarrier.arrive $0xFFFF  }
0x42: {  	[hbm:s17], [sflag:s13] =	dma.local [spmem:s14], $0x2800  }
0x43: {  	s19 =	sadd.s32 $0x1, s19;
	_ =	swait.ge [sflag:s10], $0x2800  }
0x44: {  	p0 =	sne.s32 s19, s9;
	[sflag:s10] =	ssyncset.done $0x0  }
.Ltmp1:
0x45: {  	[sflag:s10] =	ssyncadd.s32 $0xFFFFD800;
	(pc) =	sbr.rel @p0 .LBB2_1-.Ltmp1, $4  }
0x46: {  	[hbm:s18], [sflag:s13] =	dma.local [spmem:s15], $0x2800  }
0x47: {  	_ =	swait.ge [sflag:s10], $0x2800  }
0x48: {  	[sflag:s10] =	ssyncset.done $0x0  }
0x49: {  	[sflag:s10] =	ssyncadd.s32 $0xFFFFD800  }
0x4a: {  	_ =	sfence.sel $0x180000  }
0x4b: {  	[bflag:$0x0] =	sbarrier.arrive $0xFFFF  }
0x4c: {  	p0 =	sne.s32 s3, $0x0;
	_ =	strace $0x90000047  }
0x4d: {  	s0 =	sadd.s32 @!p0 $0x100000, s0;
	[bflag:$0x2] =	sbarrier.arrive $0xFFFF  }
0x4e: {  	[sflag:s0] =	ssyncadd.tile.s32 @!p0 $0x1;
	_ =	shalt  }
.Lfunc_end2:
_tile_overlayer_lowered:
.L_overlay_start_2:
0x4f: {  	(tag) =	ssettag $0x2  }
0x50: {  	s0 =	rddreg [dreg:$0x0];
	s2 =	stileid.u32  }
0x51: {  	s1 =	rddreg [dreg:$0x1];
	p0 =	sne.s32 s2, $0x0  }
0x52: {  	s3 =	rddreg [dreg:$0x2];
	[bflag:$0x3] =	sbarrier.arrive $0xFFFF;
	s2 =	simm.s32 @!p0 $0x1C01  }
0x53: {  	[timem:s3], [sflag:s2] =	dma.local @!p0 [hbm:s0], s1  }
0x54: {  	s0 =	simm.s32 @!p0 $0x1  }
0x55: {  	_ =	swait.ge @!p0 [sflag:s0], s1  }
0x56: {  	s1 =	ssub.s32 @!p0 $0x0, s1;
	[sflag:s0] =	ssyncset.done @!p0 $0x0  }
0x57: {  	[sflag:s0] =	ssyncadd.s32 @!p0 s1  }
0x58: {  	[bflag:$0x3] =	sbarrier.arrive $0xFFFF  }
0x59: {  	_ =	shalt  }

</sc_bundles>
